<compile_context>
chip_gen: v7x
topology: tpu7x:2x2x1
jax: 0.10.2.dev20260603
libtpu: 0.0.44.dev20260713+nightly
codegen_flags: <defaults>
</compile_context>

<pallas_src>
import functools

import jax
import jax.numpy as jnp
from jax import lax
from jax.experimental import pallas as pl
from jax.experimental.pallas import tpu as pltpu
from jax.experimental.pallas import tpu_sc as plsc

N = 320000
D = 128
S = 1024

NC = 2
NS = 16
NW = NC * NS

ROWS_PER_WORKER = N // NW
B = 400
NBW = ROWS_PER_WORKER // B
SUB = 80
NSUB = B // SUB
ROWS_PER_TILE = S // NS

_mesh = plsc.VectorSubcoreMesh(core_axis_name="c", subcore_axis_name="s")


@functools.partial(
    pl.kernel,
    mesh=_mesh,
    out_type=jax.ShapeDtypeStruct((NC, S, D), jnp.float32),
    scratch_types=[
        pltpu.VMEM((B, D), jnp.float32),
        pltpu.VMEM((B, D), jnp.float32),
        pltpu.VMEM((NSUB, SUB), jnp.int32),
        pltpu.VMEM((NSUB, SUB), jnp.int32),
        pltpu.VMEM_SHARED((S, D), jnp.float32),
        pltpu.SemaphoreType.DMA,
        pltpu.SemaphoreType.DMA,
        pltpu.SemaphoreType.DMA,
    ],
)
def _sc_segment_sum(x_hbm, idx_hbm, zs_hbm,
                    sums_out,
                    rowbuf0, rowbuf1, idxbuf0, idxbuf1, acc,
                    gsem0, gsem1, ssem):
    c = lax.axis_index("c")
    s = lax.axis_index("s")
    wid = s * NC + c
    blk0 = wid * NBW

    rowbufs = (rowbuf0, rowbuf1)
    idxbufs = (idxbuf0, idxbuf1)
    gsems = (gsem0, gsem1)

    r0 = s * ROWS_PER_TILE
    pltpu.sync_copy(zs_hbm.at[pl.ds(r0, ROWS_PER_TILE)], acc.at[pl.ds(r0, ROWS_PER_TILE)])
    plsc.subcore_barrier()

    def row_base(j):
        return pl.multiple_of((blk0 + j) * B, 16)

    def gather_start(j, p):
        pltpu.async_copy(x_hbm.at[pl.ds(row_base(j), B)], rowbufs[p], gsems[p])
        pltpu.async_copy(idx_hbm.at[blk0 + j], idxbufs[p], gsems[p])

    def gather_wait(j, p):
        pltpu.make_async_copy(x_hbm.at[pl.ds(row_base(j), B)], rowbufs[p],
                              gsems[p]).wait()
        pltpu.make_async_copy(idx_hbm.at[blk0 + j], idxbufs[p],
                              gsems[p]).wait()

    def scatter_block(j, p):
        buf = rowbufs[p]
        idxb = idxbufs[p]
        cps = []
        for t in range(NSUB):
            cps.append(pltpu.async_copy(
                buf.at[pl.ds(t * SUB, SUB)],
                acc.at[idxb.at[t]], ssem, add=True))
        for cp in cps:
            cp.wait()

    gather_start(0, 0)

    def pair_body(k2, carry):
        j0 = k2 * 2
        for p in range(2):
            j = j0 + p
            gather_wait(j, p)
            gather_start(j + 1, 1 - p)
            scatter_block(j, p)
        return carry

    lax.fori_loop(0, (NBW - 1) // 2, pair_body, 0)
    gather_wait(NBW - 1, 0)
    scatter_block(NBW - 1, 0)

    plsc.subcore_barrier()
    pltpu.sync_copy(acc.at[pl.ds(r0, ROWS_PER_TILE)],
                    sums_out.at[c, pl.ds(r0, ROWS_PER_TILE)])


def _tc_head(sums_ref, cnt_ref, g1_ref, be1_ref, w1_ref, b1_ref,
             w2_ref, b2_ref, g2_ref, be2_ref, out_ref):
    sums = sums_ref[0, :, :] + sums_ref[1, :, :]
    cnt = jnp.maximum(cnt_ref[:, :], 1.0)
    h = sums / cnt

    def layer_norm(v, gamma, beta):
        mean = jnp.mean(v, axis=-1, keepdims=True)
        var = jnp.var(v, axis=-1, keepdims=True)
        return (v - mean) * lax.rsqrt(var + 1e-5) * gamma + beta

    h = layer_norm(h, g1_ref[0:1, :], be1_ref[0:1, :])
    y = lax.dot_general(h, w1_ref[:, :], (((1,), (1,)), ((), ())),
                        preferred_element_type=jnp.float32,
                        precision=lax.Precision.HIGHEST) + b1_ref[0:1, :]
    y = jnp.where(y > 0, y, jnp.exp(jnp.minimum(y, 0.0)) - 1.0)
    y = lax.dot_general(y, w2_ref[:, :], (((1,), (1,)), ((), ())),
                        preferred_element_type=jnp.float32,
                        precision=lax.Precision.HIGHEST) + b2_ref[0:1, :]
    y = y + h
    out_ref[:, :] = layer_norm(y, g2_ref[0:1, :], be2_ref[0:1, :])


_tc_head_call = pl.pallas_call(
    _tc_head,
    out_shape=jax.ShapeDtypeStruct((S, D), jnp.float32),
)


@jax.jit
def kernel(x, graph_index, gamma1, beta1, W1, b1, W2, b2, gamma2, beta2):
    idx1 = graph_index.astype(jnp.int32)
    idx = idx1.reshape(N // B, NSUB, SUB)
    zeros_s = jnp.zeros((S, D), jnp.float32)
    ss = jnp.searchsorted(idx1, jnp.arange(S + 1, dtype=jnp.int32))
    cnt2d = (ss[1:] - ss[:-1]).astype(jnp.float32).reshape(S, 1)
    sums = _sc_segment_sum(x, idx, zeros_s)
    return _tc_head_call(
        sums, cnt2d,
        gamma1.reshape(1, D), beta1.reshape(1, D), W1, b1.reshape(1, D),
        W2, b2.reshape(1, D), gamma2.reshape(1, D), beta2.reshape(1, D))

# --- scband reference (transcript-rebuilt; emitter-appended) ---
"""Pipeline reference for scband-mean-pooling-31344671326428 (READ-ONLY COPY).

The authoritative reference and input builder live on the scoring server;
editing this copy changes nothing except your own understanding.
"""

import jax, jax.numpy as jnp
import numpy as np

N = 320000
D = 128
NUM_SEGMENTS = 1024


def layer_norm(x, gamma, beta, eps=1e-5):
    mean = jnp.mean(x, axis=-1, keepdims=True)
    var = jnp.var(x, axis=-1, keepdims=True)
    return (x - mean) / jnp.sqrt(var + eps) * gamma + beta


def setup_inputs(seed: int = 0) -> dict:
    key = jax.random.key(seed)
    k1, k2, k3, k4 = jax.random.split(key, 4)
    x = jax.random.normal(k1, (N, D), dtype=jnp.float32)
    graph_index = jnp.sort(jax.random.randint(k2, (N,), 0, NUM_SEGMENTS, dtype=jnp.int64))
    W1 = jax.random.normal(k3, (D, D), dtype=jnp.float32) * 0.05
    b1 = jnp.zeros((D,), dtype=jnp.float32)
    W2 = jax.random.normal(k4, (D, D), dtype=jnp.float32) * 0.05
    b2 = jnp.zeros((D,), dtype=jnp.float32)
    gamma1 = jnp.ones((D,), dtype=jnp.float32)
    beta1 = jnp.zeros((D,), dtype=jnp.float32)
    gamma2 = jnp.ones((D,), dtype=jnp.float32)
    beta2 = jnp.zeros((D,), dtype=jnp.float32)
    return {"x": x, "graph_index": graph_index, "gamma1": gamma1, "beta1": beta1,
            "W1": W1, "b1": b1, "W2": W2, "b2": b2, "gamma2": gamma2, "beta2": beta2}


def reference(x, graph_index, gamma1, beta1, W1, b1, W2, b2, gamma2, beta2):
    # global_mean_pool: segment mean over graph_index
    sums = jax.ops.segment_sum(x, graph_index, num_segments=NUM_SEGMENTS)
    counts = jax.ops.segment_sum(jnp.ones((x.shape[0],), dtype=x.dtype), graph_index, num_segments=NUM_SEGMENTS)
    counts = jnp.maximum(counts, 1.0)
    h = sums / counts[:, None]
    h = layer_norm(h, gamma1, beta1)
    y = h @ W1.T + b1
    y = jax.nn.elu(y)
    # dropout is identity in eval mode
    y = y @ W2.T + b2
    y = y + h
    y = layer_norm(y, gamma2, beta2)
    return y

if __name__ == "__main__":
    import jax
    _d = setup_inputs()
    print(jax.jit(kernel)(*tuple(_d.values())))

</pallas_src>

<mosaic_0001>
#map = affine_map<(d0, d1) -> (0, 0)>
#map1 = affine_map<(d0, d1) -> (0, 0, 0)>
module attributes {stable_mosaic.version = 14 : i64} {
  func.func @_sc_segment_sum(%arg0: i32, %arg1: i32, %arg2: memref<320000x128xf32, #tpu.memory_space<hbm>>, %arg3: memref<800x5x80xi32, #tpu.memory_space<hbm>>, %arg4: memref<1024x128xf32, #tpu.memory_space<hbm>>, %arg5: memref<2x1024x128xf32, #tpu.memory_space<hbm>>, %arg6: memref<400x128xf32, #tpu.memory_space<vmem>>, %arg7: memref<400x128xf32, #tpu.memory_space<vmem>>, %arg8: memref<5x80xi32, #tpu.memory_space<vmem>>, %arg9: memref<5x80xi32, #tpu.memory_space<vmem>>, %arg10: memref<1024x128xf32, #tpu.memory_space<vmem_shared>>, %arg11: memref<!tpu.dma_semaphore, #tpu.memory_space<semaphore_mem>>, %arg12: memref<!tpu.dma_semaphore, #tpu.memory_space<semaphore_mem>>, %arg13: memref<!tpu.dma_semaphore, #tpu.memory_space<semaphore_mem>>) attributes {dimension_semantics = [#tpu.dimension_semantics<core_parallel>, #tpu.dimension_semantics<subcore_parallel>], iteration_bounds = array<i64: 2, 16>, scalar_prefetch = 0 : i64, scratch_operands = 8 : i64, tpu.core_type = #tpu.core_type<sc_vector_subcore>, window_params = [{transform_indices = #map}, {transform_indices = #map1}, {transform_indices = #map}, {transform_indices = #map1}]} {
    %mul3A = arith.constant 2 : i32
    %mul3A_0 = arith.muli %arg1, %mul3A : i32
    %add3A = arith.addi %mul3A_0, %arg0 : i32
    %mul3A_1 = arith.constant 25 : i32
    %mul3A_2 = arith.muli %add3A, %mul3A_1 : i32
    %mul3A_3 = arith.constant 64 : i32
    %mul3A_4 = arith.muli %arg1, %mul3A_3 : i32
    "tpu.region"() ({
      %run_scoped3A = tpu.sem_alloc : memref<!tpu.dma_semaphore, #tpu.memory_space<semaphore_mem>>
      %dma_start3A_146 = arith.constant 0 : i32
      %dma_start3A_147 = tpu.memref_slice %arg10[%mul3A_4, %dma_start3A_146] : memref<1024x128xf32, #tpu.memory_space<vmem_shared>> -> memref<64x128xf32, #tpu.memory_space<vmem_shared>>
      %dma_start3A_148 = arith.constant 0 : i32
      %dma_start3A_149 = tpu.memref_slice %arg4[%mul3A_4, %dma_start3A_148] : memref<1024x128xf32, #tpu.memory_space<hbm>> -> memref<64x128xf32, #tpu.memory_space<hbm>>
      tpu.enqueue_dma source(%dma_start3A_149 : memref<64x128xf32, #tpu.memory_space<hbm>>) target(%dma_start3A_147 : memref<64x128xf32, #tpu.memory_space<vmem_shared>>) target_semaphore(%run_scoped3A : memref<!tpu.dma_semaphore, #tpu.memory_space<semaphore_mem>>)
      %dma_wait3A_150 = arith.constant 0 : i32
      %dma_wait3A_151 = tpu.memref_slice %arg10[%mul3A_4, %dma_wait3A_150] : memref<1024x128xf32, #tpu.memory_space<vmem_shared>> -> memref<64x128xf32, #tpu.memory_space<vmem_shared>>
      %dma_wait3A_152 = arith.constant 0 : i32
      %dma_wait3A_153 = tpu.memref_slice %arg4[%mul3A_4, %dma_wait3A_152] : memref<1024x128xf32, #tpu.memory_space<hbm>> -> memref<64x128xf32, #tpu.memory_space<hbm>>
      tpu.wait_dma2 semaphore(%run_scoped3A : memref<!tpu.dma_semaphore, #tpu.memory_space<semaphore_mem>>) src(%dma_wait3A_153 : memref<64x128xf32, #tpu.memory_space<hbm>>) dst(%dma_wait3A_151 : memref<64x128xf32, #tpu.memory_space<vmem_shared>>)
      tpu.yield
    }) : () -> ()
    %barrier3A = arith.constant 0 : index
    tpu.barrier barrier_id(%barrier3A)
    %add3A_5 = arith.constant 0 : i32
    %add3A_6 = arith.addi %mul3A_2, %add3A_5 : i32
    %mul3A_7 = arith.constant 400 : i32
    %mul3A_8 = arith.muli %add3A_6, %mul3A_7 : i32
    %multiple_of3A = tpu.assume_multiple %mul3A_8, 16 : i32
    %dma_start3A = arith.constant 0 : i32
    %dma_start3A_9 = tpu.memref_slice %arg2[%multiple_of3A, %dma_start3A] : memref<320000x128xf32, #tpu.memory_space<hbm>> -> memref<400x128xf32, #tpu.memory_space<hbm>>
    %dma_start3A_10 = arith.constant 0 : i32
    %dma_start3A_11 = tpu.memref_slice %arg2[%multiple_of3A, %dma_start3A_10] : memref<320000x128xf32, #tpu.memory_space<hbm>> -> memref<400x128xf32, #tpu.memory_space<hbm>>
    tpu.enqueue_dma source(%dma_start3A_11 : memref<400x128xf32, #tpu.memory_space<hbm>>) target(%arg6 : memref<400x128xf32, #tpu.memory_space<vmem>>) target_semaphore(%arg11 : memref<!tpu.dma_semaphore, #tpu.memory_space<semaphore_mem>>)
    %add3A_12 = arith.constant 0 : i32
    %add3A_13 = arith.addi %mul3A_2, %add3A_12 : i32
    %dma_start3A_14 = arith.constant 0 : i32
    %dma_start3A_15 = arith.constant 0 : i32
    %dma_start3A_16 = tpu.memref_slice %arg3[%add3A_13, %dma_start3A_14, %dma_start3A_15] : memref<800x5x80xi32, #tpu.memory_space<hbm>> -> memref<1x5x80xi32, #tpu.memory_space<hbm>>
    %dma_start3A_17 = tpu.memref_squeeze %dma_start3A_16 : memref<1x5x80xi32, #tpu.memory_space<hbm>> -> memref<5x80xi32, #tpu.memory_space<hbm>>
    %dma_start3A_18 = arith.constant 0 : i32
    %dma_start3A_19 = arith.constant 0 : i32
    %dma_start3A_20 = tpu.memref_slice %arg3[%add3A_13, %dma_start3A_18, %dma_start3A_19] : memref<800x5x80xi32, #tpu.memory_space<hbm>> -> memref<1x5x80xi32, #tpu.memory_space<hbm>>
    %dma_start3A_21 = tpu.memref_squeeze %dma_start3A_20 : memref<1x5x80xi32, #tpu.memory_space<hbm>> -> memref<5x80xi32, #tpu.memory_space<hbm>>
    tpu.enqueue_dma source(%dma_start3A_21 : memref<5x80xi32, #tpu.memory_space<hbm>>) target(%arg8 : memref<5x80xi32, #tpu.memory_space<vmem>>) target_semaphore(%arg11 : memref<!tpu.dma_semaphore, #tpu.memory_space<semaphore_mem>>)
    %scan3A = arith.constant 0 : i32
    %scan3A_22 = arith.constant 0 : i32
    %scan3A_23 = arith.constant 12 : i32
    %scan3A_24 = arith.addi %scan3A_22, %scan3A_23 : i32
    %scan3A_25 = arith.constant 1 : i32
    scf.for %scan3A_146 = %scan3A_22 to %scan3A_24 step %scan3A_25  : i32 {
      %mul3A_147 = arith.constant 2 : i32
      %mul3A_148 = arith.muli %scan3A_146, %mul3A_147 : i32
      %add3A_149 = arith.constant 0 : i32
      %add3A_150 = arith.addi %mul3A_148, %add3A_149 : i32
      %add3A_151 = arith.addi %mul3A_2, %add3A_150 : i32
      %mul3A_152 = arith.constant 400 : i32
      %mul3A_153 = arith.muli %add3A_151, %mul3A_152 : i32
      %multiple_of3A_154 = tpu.assume_multiple %mul3A_153, 16 : i32
      %dma_wait3A_155 = arith.constant 0 : i32
      %dma_wait3A_156 = tpu.memref_slice %arg2[%multiple_of3A_154, %dma_wait3A_155] : memref<320000x128xf32, #tpu.memory_space<hbm>> -> memref<400x128xf32, #tpu.memory_space<hbm>>
      %dma_wait3A_157 = arith.constant 0 : i32
      %dma_wait3A_158 = tpu.memref_slice %arg2[%multiple_of3A_154, %dma_wait3A_157] : memref<320000x128xf32, #tpu.memory_space<hbm>> -> memref<400x128xf32, #tpu.memory_space<hbm>>
      tpu.wait_dma2 semaphore(%arg11 : memref<!tpu.dma_semaphore, #tpu.memory_space<semaphore_mem>>) src(%dma_wait3A_158 : memref<400x128xf32, #tpu.memory_space<hbm>>) dst(%arg6 : memref<400x128xf32, #tpu.memory_space<vmem>>)
      %add3A_159 = arith.addi %mul3A_2, %add3A_150 : i32
      %dma_wait3A_160 = arith.constant 0 : i32
      %dma_wait3A_161 = arith.constant 0 : i32
      %dma_wait3A_162 = tpu.memref_slice %arg3[%add3A_159, %dma_wait3A_160, %dma_wait3A_161] : memref<800x5x80xi32, #tpu.memory_space<hbm>> -> memref<1x5x80xi32, #tpu.memory_space<hbm>>
      %dma_wait3A_163 = tpu.memref_squeeze %dma_wait3A_162 : memref<1x5x80xi32, #tpu.memory_space<hbm>> -> memref<5x80xi32, #tpu.memory_space<hbm>>
      %dma_wait3A_164 = arith.constant 0 : i32
      %dma_wait3A_165 = arith.constant 0 : i32
      %dma_wait3A_166 = tpu.memref_slice %arg3[%add3A_159, %dma_wait3A_164, %dma_wait3A_165] : memref<800x5x80xi32, #tpu.memory_space<hbm>> -> memref<1x5x80xi32, #tpu.memory_space<hbm>>
      %dma_wait3A_167 = tpu.memref_squeeze %dma_wait3A_166 : memref<1x5x80xi32, #tpu.memory_space<hbm>> -> memref<5x80xi32, #tpu.memory_space<hbm>>
      tpu.wait_dma2 semaphore(%arg11 : memref<!tpu.dma_semaphore, #tpu.memory_space<semaphore_mem>>) src(%dma_wait3A_167 : memref<5x80xi32, #tpu.memory_space<hbm>>) dst(%arg8 : memref<5x80xi32, #tpu.memory_space<vmem>>)
      %add3A_168 = arith.constant 1 : i32
      %add3A_169 = arith.addi %add3A_150, %add3A_168 : i32
      %add3A_170 = arith.addi %mul3A_2, %add3A_169 : i32
      %mul3A_171 = arith.constant 400 : i32
      %mul3A_172 = arith.muli %add3A_170, %mul3A_171 : i32
      %multiple_of3A_173 = tpu.assume_multiple %mul3A_172, 16 : i32
      %dma_start3A_174 = arith.constant 0 : i32
      %dma_start3A_175 = tpu.memref_slice %arg2[%multiple_of3A_173, %dma_start3A_174] : memref<320000x128xf32, #tpu.memory_space<hbm>> -> memref<400x128xf32, #tpu.memory_space<hbm>>
      %dma_start3A_176 = arith.constant 0 : i32
      %dma_start3A_177 = tpu.memref_slice %arg2[%multiple_of3A_173, %dma_start3A_176] : memref<320000x128xf32, #tpu.memory_space<hbm>> -> memref<400x128xf32, #tpu.memory_space<hbm>>
      tpu.enqueue_dma source(%dma_start3A_177 : memref<400x128xf32, #tpu.memory_space<hbm>>) target(%arg7 : memref<400x128xf32, #tpu.memory_space<vmem>>) target_semaphore(%arg12 : memref<!tpu.dma_semaphore, #tpu.memory_space<semaphore_mem>>)
      %add3A_178 = arith.addi %mul3A_2, %add3A_169 : i32
      %dma_start3A_179 = arith.constant 0 : i32
      %dma_start3A_180 = arith.constant 0 : i32
      %dma_start3A_181 = tpu.memref_slice %arg3[%add3A_178, %dma_start3A_179, %dma_start3A_180] : memref<800x5x80xi32, #tpu.memory_space<hbm>> -> memref<1x5x80xi32, #tpu.memory_space<hbm>>
      %dma_start3A_182 = tpu.memref_squeeze %dma_start3A_181 : memref<1x5x80xi32, #tpu.memory_space<hbm>> -> memref<5x80xi32, #tpu.memory_space<hbm>>
      %dma_start3A_183 = arith.constant 0 : i32
      %dma_start3A_184 = arith.constant 0 : i32
      %dma_start3A_185 = tpu.memref_slice %arg3[%add3A_178, %dma_start3A_183, %dma_start3A_184] : memref<800x5x80xi32, #tpu.memory_space<hbm>> -> memref<1x5x80xi32, #tpu.memory_space<hbm>>
      %dma_start3A_186 = tpu.memref_squeeze %dma_start3A_185 : memref<1x5x80xi32, #tpu.memory_space<hbm>> -> memref<5x80xi32, #tpu.memory_space<hbm>>
      tpu.enqueue_dma source(%dma_start3A_186 : memref<5x80xi32, #tpu.memory_space<hbm>>) target(%arg9 : memref<5x80xi32, #tpu.memory_space<vmem>>) target_semaphore(%arg12 : memref<!tpu.dma_semaphore, #tpu.memory_space<semaphore_mem>>)
      %dma_start3A_187 = arith.constant 0 : i32
      %dma_start3A_188 = arith.constant 0 : i32
      %dma_start3A_189 = arith.constant 0 : i32
      %dma_start3A_190 = tpu.memref_slice %arg6[%dma_start3A_188, %dma_start3A_189] : memref<400x128xf32, #tpu.memory_space<vmem>> -> memref<80x128xf32, #tpu.memory_space<vmem>>
      %dma_start3A_191 = arith.constant 0 : i32
      %dma_start3A_192 = tpu.memref_slice %arg8[%dma_start3A_187, %dma_start3A_191] : memref<5x80xi32, #tpu.memory_space<vmem>> -> memref<1x80xi32, #tpu.memory_space<vmem>>
      %dma_start3A_193 = tpu.memref_squeeze %dma_start3A_192 : memref<1x80xi32, #tpu.memory_space<vmem>> -> memref<80xi32, #tpu.memory_space<vmem>>
      %dma_start3A_194 = arith.constant 0 : i32
      %dma_start3A_195 = arith.constant 0 : i32
      %dma_start3A_196 = tpu.memref_slice %arg10[%dma_start3A_194, %dma_start3A_195] : memref<1024x128xf32, #tpu.memory_space<vmem_shared>> -> memref<1024x128xf32, #tpu.memory_space<vmem_shared>>
      tpu.enqueue_indirect_dma source(%dma_start3A_190 : memref<80x128xf32, #tpu.memory_space<vmem>>) target(%dma_start3A_196 : memref<1024x128xf32, #tpu.memory_space<vmem_shared>>) offsets(%dma_start3A_193 : memref<80xi32, #tpu.memory_space<vmem>>) semaphore(%arg13 : memref<!tpu.dma_semaphore, #tpu.memory_space<semaphore_mem>>) {add = true}
      %dma_start3A_197 = arith.constant 1 : i32
      %dma_start3A_198 = arith.constant 80 : i32
      %dma_start3A_199 = arith.constant 0 : i32
      %dma_start3A_200 = tpu.memref_slice %arg6[%dma_start3A_198, %dma_start3A_199] : memref<400x128xf32, #tpu.memory_space<vmem>> -> memref<80x128xf32, #tpu.memory_space<vmem>>
      %dma_start3A_201 = arith.constant 0 : i32
      %dma_start3A_202 = tpu.memref_slice %arg8[%dma_start3A_197, %dma_start3A_201] : memref<5x80xi32, #tpu.memory_space<vmem>> -> memref<1x80xi32, #tpu.memory_space<vmem>>
      %dma_start3A_203 = tpu.memref_squeeze %dma_start3A_202 : memref<1x80xi32, #tpu.memory_space<vmem>> -> memref<80xi32, #tpu.memory_space<vmem>>
      %dma_start3A_204 = arith.constant 0 : i32
      %dma_start3A_205 = arith.constant 0 : i32
      %dma_start3A_206 = tpu.memref_slice %arg10[%dma_start3A_204, %dma_start3A_205] : memref<1024x128xf32, #tpu.memory_space<vmem_shared>> -> memref<1024x128xf32, #tpu.memory_space<vmem_shared>>
      tpu.enqueue_indirect_dma source(%dma_start3A_200 : memref<80x128xf32, #tpu.memory_space<vmem>>) target(%dma_start3A_206 : memref<1024x128xf32, #tpu.memory_space<vmem_shared>>) offsets(%dma_start3A_203 : memref<80xi32, #tpu.memory_space<vmem>>) semaphore(%arg13 : memref<!tpu.dma_semaphore, #tpu.memory_space<semaphore_mem>>) {add = true}
      %dma_start3A_207 = arith.constant 2 : i32
      %dma_start3A_208 = arith.constant 160 : i32
      %dma_start3A_209 = arith.constant 0 : i32
      %dma_start3A_210 = tpu.memref_slice %arg6[%dma_start3A_208, %dma_start3A_209] : memref<400x128xf32, #tpu.memory_space<vmem>> -> memref<80x128xf32, #tpu.memory_space<vmem>>
      %dma_start3A_211 = arith.constant 0 : i32
      %dma_start3A_212 = tpu.memref_slice %arg8[%dma_start3A_207, %dma_start3A_211] : memref<5x80xi32, #tpu.memory_space<vmem>> -> memref<1x80xi32, #tpu.memory_space<vmem>>
      %dma_start3A_213 = tpu.memref_squeeze %dma_start3A_212 : memref<1x80xi32, #tpu.memory_space<vmem>> -> memref<80xi32, #tpu.memory_space<vmem>>
      %dma_start3A_214 = arith.constant 0 : i32
      %dma_start3A_215 = arith.constant 0 : i32
      %dma_start3A_216 = tpu.memref_slice %arg10[%dma_start3A_214, %dma_start3A_215] : memref<1024x128xf32, #tpu.memory_space<vmem_shared>> -> memref<1024x128xf32, #tpu.memory_space<vmem_shared>>
      tpu.enqueue_indirect_dma source(%dma_start3A_210 : memref<80x128xf32, #tpu.memory_space<vmem>>) target(%dma_start3A_216 : memref<1024x128xf32, #tpu.memory_space<vmem_shared>>) offsets(%dma_start3A_213 : memref<80xi32, #tpu.memory_space<vmem>>) semaphore(%arg13 : memref<!tpu.dma_semaphore, #tpu.memory_space<semaphore_mem>>) {add = true}
      %dma_start3A_217 = arith.constant 3 : i32
      %dma_start3A_218 = arith.constant 240 : i32
      %dma_start3A_219 = arith.constant 0 : i32
      %dma_start3A_220 = tpu.memref_slice %arg6[%dma_start3A_218, %dma_start3A_219] : memref<400x128xf32, #tpu.memory_space<vmem>> -> memref<80x128xf32, #tpu.memory_space<vmem>>
      %dma_start3A_221 = arith.constant 0 : i32
      %dma_start3A_222 = tpu.memref_slice %arg8[%dma_start3A_217, %dma_start3A_221] : memref<5x80xi32, #tpu.memory_space<vmem>> -> memref<1x80xi32, #tpu.memory_space<vmem>>
      %dma_start3A_223 = tpu.memref_squeeze %dma_start3A_222 : memref<1x80xi32, #tpu.memory_space<vmem>> -> memref<80xi32, #tpu.memory_space<vmem>>
      %dma_start3A_224 = arith.constant 0 : i32
      %dma_start3A_225 = arith.constant 0 : i32
      %dma_start3A_226 = tpu.memref_slice %arg10[%dma_start3A_224, %dma_start3A_225] : memref<1024x128xf32, #tpu.memory_space<vmem_shared>> -> memref<1024x128xf32, #tpu.memory_space<vmem_shared>>
      tpu.enqueue_indirect_dma source(%dma_start3A_220 : memref<80x128xf32, #tpu.memory_space<vmem>>) target(%dma_start3A_226 : memref<1024x128xf32, #tpu.memory_space<vmem_shared>>) offsets(%dma_start3A_223 : memref<80xi32, #tpu.memory_space<vmem>>) semaphore(%arg13 : memref<!tpu.dma_semaphore, #tpu.memory_space<semaphore_mem>>) {add = true}
      %dma_start3A_227 = arith.constant 4 : i32
      %dma_start3A_228 = arith.constant 320 : i32
      %dma_start3A_229 = arith.constant 0 : i32
      %dma_start3A_230 = tpu.memref_slice %arg6[%dma_start3A_228, %dma_start3A_229] : memref<400x128xf32, #tpu.memory_space<vmem>> -> memref<80x128xf32, #tpu.memory_space<vmem>>
      %dma_start3A_231 = arith.constant 0 : i32
      %dma_start3A_232 = tpu.memref_slice %arg8[%dma_start3A_227, %dma_start3A_231] : memref<5x80xi32, #tpu.memory_space<vmem>> -> memref<1x80xi32, #tpu.memory_space<vmem>>
      %dma_start3A_233 = tpu.memref_squeeze %dma_start3A_232 : memref<1x80xi32, #tpu.memory_space<vmem>> -> memref<80xi32, #tpu.memory_space<vmem>>
      %dma_start3A_234 = arith.constant 0 : i32
      %dma_start3A_235 = arith.constant 0 : i32
      %dma_start3A_236 = tpu.memref_slice %arg10[%dma_start3A_234, %dma_start3A_235] : memref<1024x128xf32, #tpu.memory_space<vmem_shared>> -> memref<1024x128xf32, #tpu.memory_space<vmem_shared>>
      tpu.enqueue_indirect_dma source(%dma_start3A_230 : memref<80x128xf32, #tpu.memory_space<vmem>>) target(%dma_start3A_236 : memref<1024x128xf32, #tpu.memory_space<vmem_shared>>) offsets(%dma_start3A_233 : memref<80xi32, #tpu.memory_space<vmem>>) semaphore(%arg13 : memref<!tpu.dma_semaphore, #tpu.memory_space<semaphore_mem>>) {add = true}
      %dma_wait3A_237 = arith.constant 0 : i32
      %dma_wait3A_238 = arith.constant 0 : i32
      %dma_wait3A_239 = arith.constant 0 : i32
      %dma_wait3A_240 = tpu.memref_slice %arg6[%dma_wait3A_238, %dma_wait3A_239] : memref<400x128xf32, #tpu.memory_space<vmem>> -> memref<80x128xf32, #tpu.memory_space<vmem>>
      %dma_wait3A_241 = arith.constant 0 : i32
      %dma_wait3A_242 = tpu.memref_slice %arg8[%dma_wait3A_237, %dma_wait3A_241] : memref<5x80xi32, #tpu.memory_space<vmem>> -> memref<1x80xi32, #tpu.memory_space<vmem>>
      %dma_wait3A_243 = tpu.memref_squeeze %dma_wait3A_242 : memref<1x80xi32, #tpu.memory_space<vmem>> -> memref<80xi32, #tpu.memory_space<vmem>>
      %dma_wait3A_244 = arith.constant 0 : i32
      %dma_wait3A_245 = arith.constant 0 : i32
      %dma_wait3A_246 = tpu.memref_slice %arg10[%dma_wait3A_244, %dma_wait3A_245] : memref<1024x128xf32, #tpu.memory_space<vmem_shared>> -> memref<1024x128xf32, #tpu.memory_space<vmem_shared>>
      tpu.wait_indirect_dma semaphore(%arg13 : memref<!tpu.dma_semaphore, #tpu.memory_space<semaphore_mem>>) src(%dma_wait3A_240 : memref<80x128xf32, #tpu.memory_space<vmem>>) dst(%dma_wait3A_246 : memref<1024x128xf32, #tpu.memory_space<vmem_shared>>)
      %dma_wait3A_247 = arith.constant 1 : i32
      %dma_wait3A_248 = arith.constant 80 : i32
      %dma_wait3A_249 = arith.constant 0 : i32
      %dma_wait3A_250 = tpu.memref_slice %arg6[%dma_wait3A_248, %dma_wait3A_249] : memref<400x128xf32, #tpu.memory_space<vmem>> -> memref<80x128xf32, #tpu.memory_space<vmem>>
      %dma_wait3A_251 = arith.constant 0 : i32
      %dma_wait3A_252 = tpu.memref_slice %arg8[%dma_wait3A_247, %dma_wait3A_251] : memref<5x80xi32, #tpu.memory_space<vmem>> -> memref<1x80xi32, #tpu.memory_space<vmem>>
      %dma_wait3A_253 = tpu.memref_squeeze %dma_wait3A_252 : memref<1x80xi32, #tpu.memory_space<vmem>> -> memref<80xi32, #tpu.memory_space<vmem>>
      %dma_wait3A_254 = arith.constant 0 : i32
      %dma_wait3A_255 = arith.constant 0 : i32
      %dma_wait3A_256 = tpu.memref_slice %arg10[%dma_wait3A_254, %dma_wait3A_255] : memref<1024x128xf32, #tpu.memory_space<vmem_shared>> -> memref<1024x128xf32, #tpu.memory_space<vmem_shared>>
      tpu.wait_indirect_dma semaphore(%arg13 : memref<!tpu.dma_semaphore, #tpu.memory_space<semaphore_mem>>) src(%dma_wait3A_250 : memref<80x128xf32, #tpu.memory_space<vmem>>) dst(%dma_wait3A_256 : memref<1024x128xf32, #tpu.memory_space<vmem_shared>>)
      %dma_wait3A_257 = arith.constant 2 : i32
      %dma_wait3A_258 = arith.constant 160 : i32
      %dma_wait3A_259 = arith.constant 0 : i32
      %dma_wait3A_260 = tpu.memref_slice %arg6[%dma_wait3A_258, %dma_wait3A_259] : memref<400x128xf32, #tpu.memory_space<vmem>> -> memref<80x128xf32, #tpu.memory_space<vmem>>
      %dma_wait3A_261 = arith.constant 0 : i32
      %dma_wait3A_262 = tpu.memref_slice %arg8[%dma_wait3A_257, %dma_wait3A_261] : memref<5x80xi32, #tpu.memory_space<vmem>> -> memref<1x80xi32, #tpu.memory_space<vmem>>
      %dma_wait3A_263 = tpu.memref_squeeze %dma_wait3A_262 : memref<1x80xi32, #tpu.memory_space<vmem>> -> memref<80xi32, #tpu.memory_space<vmem>>
      %dma_wait3A_264 = arith.constant 0 : i32
      %dma_wait3A_265 = arith.constant 0 : i32
      %dma_wait3A_266 = tpu.memref_slice %arg10[%dma_wait3A_264, %dma_wait3A_265] : memref<1024x128xf32, #tpu.memory_space<vmem_shared>> -> memref<1024x128xf32, #tpu.memory_space<vmem_shared>>
      tpu.wait_indirect_dma semaphore(%arg13 : memref<!tpu.dma_semaphore, #tpu.memory_space<semaphore_mem>>) src(%dma_wait3A_260 : memref<80x128xf32, #tpu.memory_space<vmem>>) dst(%dma_wait3A_266 : memref<1024x128xf32, #tpu.memory_space<vmem_shared>>)
      %dma_wait3A_267 = arith.constant 3 : i32
      %dma_wait3A_268 = arith.constant 240 : i32
      %dma_wait3A_269 = arith.constant 0 : i32
      %dma_wait3A_270 = tpu.memref_slice %arg6[%dma_wait3A_268, %dma_wait3A_269] : memref<400x128xf32, #tpu.memory_space<vmem>> -> memref<80x128xf32, #tpu.memory_space<vmem>>
      %dma_wait3A_271 = arith.constant 0 : i32
      %dma_wait3A_272 = tpu.memref_slice %arg8[%dma_wait3A_267, %dma_wait3A_271] : memref<5x80xi32, #tpu.memory_space<vmem>> -> memref<1x80xi32, #tpu.memory_space<vmem>>
      %dma_wait3A_273 = tpu.memref_squeeze %dma_wait3A_272 : memref<1x80xi32, #tpu.memory_space<vmem>> -> memref<80xi32, #tpu.memory_space<vmem>>
      %dma_wait3A_274 = arith.constant 0 : i32
      %dma_wait3A_275 = arith.constant 0 : i32
      %dma_wait3A_276 = tpu.memref_slice %arg10[%dma_wait3A_274, %dma_wait3A_275] : memref<1024x128xf32, #tpu.memory_space<vmem_shared>> -> memref<1024x128xf32, #tpu.memory_space<vmem_shared>>
      tpu.wait_indirect_dma semaphore(%arg13 : memref<!tpu.dma_semaphore, #tpu.memory_space<semaphore_mem>>) src(%dma_wait3A_270 : memref<80x128xf32, #tpu.memory_space<vmem>>) dst(%dma_wait3A_276 : memref<1024x128xf32, #tpu.memory_space<vmem_shared>>)
      %dma_wait3A_277 = arith.constant 4 : i32
      %dma_wait3A_278 = arith.constant 320 : i32
      %dma_wait3A_279 = arith.constant 0 : i32
      %dma_wait3A_280 = tpu.memref_slice %arg6[%dma_wait3A_278, %dma_wait3A_279] : memref<400x128xf32, #tpu.memory_space<vmem>> -> memref<80x128xf32, #tpu.memory_space<vmem>>
      %dma_wait3A_281 = arith.constant 0 : i32
      %dma_wait3A_282 = tpu.memref_slice %arg8[%dma_wait3A_277, %dma_wait3A_281] : memref<5x80xi32, #tpu.memory_space<vmem>> -> memref<1x80xi32, #tpu.memory_space<vmem>>
      %dma_wait3A_283 = tpu.memref_squeeze %dma_wait3A_282 : memref<1x80xi32, #tpu.memory_space<vmem>> -> memref<80xi32, #tpu.memory_space<vmem>>
      %dma_wait3A_284 = arith.constant 0 : i32
      %dma_wait3A_285 = arith.constant 0 : i32
      %dma_wait3A_286 = tpu.memref_slice %arg10[%dma_wait3A_284, %dma_wait3A_285] : memref<1024x128xf32, #tpu.memory_space<vmem_shared>> -> memref<1024x128xf32, #tpu.memory_space<vmem_shared>>
      tpu.wait_indirect_dma semaphore(%arg13 : memref<!tpu.dma_semaphore, #tpu.memory_space<semaphore_mem>>) src(%dma_wait3A_280 : memref<80x128xf32, #tpu.memory_space<vmem>>) dst(%dma_wait3A_286 : memref<1024x128xf32, #tpu.memory_space<vmem_shared>>)
      %add3A_287 = arith.constant 1 : i32
      %add3A_288 = arith.addi %mul3A_148, %add3A_287 : i32
      %add3A_289 = arith.addi %mul3A_2, %add3A_288 : i32
      %mul3A_290 = arith.constant 400 : i32
      %mul3A_291 = arith.muli %add3A_289, %mul3A_290 : i32
      %multiple_of3A_292 = tpu.assume_multiple %mul3A_291, 16 : i32
      %dma_wait3A_293 = arith.constant 0 : i32
      %dma_wait3A_294 = tpu.memref_slice %arg2[%multiple_of3A_292, %dma_wait3A_293] : memref<320000x128xf32, #tpu.memory_space<hbm>> -> memref<400x128xf32, #tpu.memory_space<hbm>>
      %dma_wait3A_295 = arith.constant 0 : i32
      %dma_wait3A_296 = tpu.memref_slice %arg2[%multiple_of3A_292, %dma_wait3A_295] : memref<320000x128xf32, #tpu.memory_space<hbm>> -> memref<400x128xf32, #tpu.memory_space<hbm>>
      tpu.wait_dma2 semaphore(%arg12 : memref<!tpu.dma_semaphore, #tpu.memory_space<semaphore_mem>>) src(%dma_wait3A_296 : memref<400x128xf32, #tpu.memory_space<hbm>>) dst(%arg7 : memref<400x128xf32, #tpu.memory_space<vmem>>)
      %add3A_297 = arith.addi %mul3A_2, %add3A_288 : i32
      %dma_wait3A_298 = arith.constant 0 : i32
      %dma_wait3A_299 = arith.constant 0 : i32
      %dma_wait3A_300 = tpu.memref_slice %arg3[%add3A_297, %dma_wait3A_298, %dma_wait3A_299] : memref<800x5x80xi32, #tpu.memory_space<hbm>> -> memref<1x5x80xi32, #tpu.memory_space<hbm>>
      %dma_wait3A_301 = tpu.memref_squeeze %dma_wait3A_300 : memref<1x5x80xi32, #tpu.memory_space<hbm>> -> memref<5x80xi32, #tpu.memory_space<hbm>>
      %dma_wait3A_302 = arith.constant 0 : i32
      %dma_wait3A_303 = arith.constant 0 : i32
      %dma_wait3A_304 = tpu.memref_slice %arg3[%add3A_297, %dma_wait3A_302, %dma_wait3A_303] : memref<800x5x80xi32, #tpu.memory_space<hbm>> -> memref<1x5x80xi32, #tpu.memory_space<hbm>>
      %dma_wait3A_305 = tpu.memref_squeeze %dma_wait3A_304 : memref<1x5x80xi32, #tpu.memory_space<hbm>> -> memref<5x80xi32, #tpu.memory_space<hbm>>
      tpu.wait_dma2 semaphore(%arg12 : memref<!tpu.dma_semaphore, #tpu.memory_space<semaphore_mem>>) src(%dma_wait3A_305 : memref<5x80xi32, #tpu.memory_space<hbm>>) dst(%arg9 : memref<5x80xi32, #tpu.memory_space<vmem>>)
      %add3A_306 = arith.constant 1 : i32
      %add3A_307 = arith.addi %add3A_288, %add3A_306 : i32
      %add3A_308 = arith.addi %mul3A_2, %add3A_307 : i32
      %mul3A_309 = arith.constant 400 : i32
      %mul3A_310 = arith.muli %add3A_308, %mul3A_309 : i32
      %multiple_of3A_311 = tpu.assume_multiple %mul3A_310, 16 : i32
      %dma_start3A_312 = arith.constant 0 : i32
      %dma_start3A_313 = tpu.memref_slice %arg2[%multiple_of3A_311, %dma_start3A_312] : memref<320000x128xf32, #tpu.memory_space<hbm>> -> memref<400x128xf32, #tpu.memory_space<hbm>>
      %dma_start3A_314 = arith.constant 0 : i32
      %dma_start3A_315 = tpu.memref_slice %arg2[%multiple_of3A_311, %dma_start3A_314] : memref<320000x128xf32, #tpu.memory_space<hbm>> -> memref<400x128xf32, #tpu.memory_space<hbm>>
      tpu.enqueue_dma source(%dma_start3A_315 : memref<400x128xf32, #tpu.memory_space<hbm>>) target(%arg6 : memref<400x128xf32, #tpu.memory_space<vmem>>) target_semaphore(%arg11 : memref<!tpu.dma_semaphore, #tpu.memory_space<semaphore_mem>>)
      %add3A_316 = arith.addi %mul3A_2, %add3A_307 : i32
      %dma_start3A_317 = arith.constant 0 : i32
      %dma_start3A_318 = arith.constant 0 : i32
      %dma_start3A_319 = tpu.memref_slice %arg3[%add3A_316, %dma_start3A_317, %dma_start3A_318] : memref<800x5x80xi32, #tpu.memory_space<hbm>> -> memref<1x5x80xi32, #tpu.memory_space<hbm>>
      %dma_start3A_320 = tpu.memref_squeeze %dma_start3A_319 : memref<1x5x80xi32, #tpu.memory_space<hbm>> -> memref<5x80xi32, #tpu.memory_space<hbm>>
      %dma_start3A_321 = arith.constant 0 : i32
      %dma_start3A_322 = arith.constant 0 : i32
      %dma_start3A_323 = tpu.memref_slice %arg3[%add3A_316, %dma_start3A_321, %dma_start3A_322] : memref<800x5x80xi32, #tpu.memory_space<hbm>> -> memref<1x5x80xi32, #tpu.memory_space<hbm>>
      %dma_start3A_324 = tpu.memref_squeeze %dma_start3A_323 : memref<1x5x80xi32, #tpu.memory_space<hbm>> -> memref<5x80xi32, #tpu.memory_space<hbm>>
      tpu.enqueue_dma source(%dma_start3A_324 : memref<5x80xi32, #tpu.memory_space<hbm>>) target(%arg8 : memref<5x80xi32, #tpu.memory_space<vmem>>) target_semaphore(%arg11 : memref<!tpu.dma_semaphore, #tpu.memory_space<semaphore_mem>>)
      %dma_start3A_325 = arith.constant 0 : i32
      %dma_start3A_326 = arith.constant 0 : i32
      %dma_start3A_327 = arith.constant 0 : i32
      %dma_start3A_328 = tpu.memref_slice %arg7[%dma_start3A_326, %dma_start3A_327] : memref<400x128xf32, #tpu.memory_space<vmem>> -> memref<80x128xf32, #tpu.memory_space<vmem>>
      %dma_start3A_329 = arith.constant 0 : i32
      %dma_start3A_330 = tpu.memref_slice %arg9[%dma_start3A_325, %dma_start3A_329] : memref<5x80xi32, #tpu.memory_space<vmem>> -> memref<1x80xi32, #tpu.memory_space<vmem>>
      %dma_start3A_331 = tpu.memref_squeeze %dma_start3A_330 : memref<1x80xi32, #tpu.memory_space<vmem>> -> memref<80xi32, #tpu.memory_space<vmem>>
      %dma_start3A_332 = arith.constant 0 : i32
      %dma_start3A_333 = arith.constant 0 : i32
      %dma_start3A_334 = tpu.memref_slice %arg10[%dma_start3A_332, %dma_start3A_333] : memref<1024x128xf32, #tpu.memory_space<vmem_shared>> -> memref<1024x128xf32, #tpu.memory_space<vmem_shared>>
      tpu.enqueue_indirect_dma source(%dma_start3A_328 : memref<80x128xf32, #tpu.memory_space<vmem>>) target(%dma_start3A_334 : memref<1024x128xf32, #tpu.memory_space<vmem_shared>>) offsets(%dma_start3A_331 : memref<80xi32, #tpu.memory_space<vmem>>) semaphore(%arg13 : memref<!tpu.dma_semaphore, #tpu.memory_space<semaphore_mem>>) {add = true}
      %dma_start3A_335 = arith.constant 1 : i32
      %dma_start3A_336 = arith.constant 80 : i32
      %dma_start3A_337 = arith.constant 0 : i32
      %dma_start3A_338 = tpu.memref_slice %arg7[%dma_start3A_336, %dma_start3A_337] : memref<400x128xf32, #tpu.memory_space<vmem>> -> memref<80x128xf32, #tpu.memory_space<vmem>>
      %dma_start3A_339 = arith.constant 0 : i32
      %dma_start3A_340 = tpu.memref_slice %arg9[%dma_start3A_335, %dma_start3A_339] : memref<5x80xi32, #tpu.memory_space<vmem>> -> memref<1x80xi32, #tpu.memory_space<vmem>>
      %dma_start3A_341 = tpu.memref_squeeze %dma_start3A_340 : memref<1x80xi32, #tpu.memory_space<vmem>> -> memref<80xi32, #tpu.memory_space<vmem>>
      %dma_start3A_342 = arith.constant 0 : i32
      %dma_start3A_343 = arith.constant 0 : i32
      %dma_start3A_344 = tpu.memref_slice %arg10[%dma_start3A_342, %dma_start3A_343] : memref<1024x128xf32, #tpu.memory_space<vmem_shared>> -> memref<1024x128xf32, #tpu.memory_space<vmem_shared>>
      tpu.enqueue_indirect_dma source(%dma_start3A_338 : memref<80x128xf32, #tpu.memory_space<vmem>>) target(%dma_start3A_344 : memref<1024x128xf32, #tpu.memory_space<vmem_shared>>) offsets(%dma_start3A_341 : memref<80xi32, #tpu.memory_space<vmem>>) semaphore(%arg13 : memref<!tpu.dma_semaphore, #tpu.memory_space<semaphore_mem>>) {add = true}
      %dma_start3A_345 = arith.constant 2 : i32
      %dma_start3A_346 = arith.constant 160 : i32
      %dma_start3A_347 = arith.constant 0 : i32
      %dma_start3A_348 = tpu.memref_slice %arg7[%dma_start3A_346, %dma_start3A_347] : memref<400x128xf32, #tpu.memory_space<vmem>> -> memref<80x128xf32, #tpu.memory_space<vmem>>
      %dma_start3A_349 = arith.constant 0 : i32
      %dma_start3A_350 = tpu.memref_slice %arg9[%dma_start3A_345, %dma_start3A_349] : memref<5x80xi32, #tpu.memory_space<vmem>> -> memref<1x80xi32, #tpu.memory_space<vmem>>
      %dma_start3A_351 = tpu.memref_squeeze %dma_start3A_350 : memref<1x80xi32, #tpu.memory_space<vmem>> -> memref<80xi32, #tpu.memory_space<vmem>>
      %dma_start3A_352 = arith.constant 0 : i32
      %dma_start3A_353 = arith.constant 0 : i32
      %dma_start3A_354 = tpu.memref_slice %arg10[%dma_start3A_352, %dma_start3A_353] : memref<1024x128xf32, #tpu.memory_space<vmem_shared>> -> memref<1024x128xf32, #tpu.memory_space<vmem_shared>>
      tpu.enqueue_indirect_dma source(%dma_start3A_348 : memref<80x128xf32, #tpu.memory_space<vmem>>) target(%dma_start3A_354 : memref<1024x128xf32, #tpu.memory_space<vmem_shared>>) offsets(%dma_start3A_351 : memref<80xi32, #tpu.memory_space<vmem>>) semaphore(%arg13 : memref<!tpu.dma_semaphore, #tpu.memory_space<semaphore_mem>>) {add = true}
      %dma_start3A_355 = arith.constant 3 : i32
      %dma_start3A_356 = arith.constant 240 : i32
      %dma_start3A_357 = arith.constant 0 : i32
      %dma_start3A_358 = tpu.memref_slice %arg7[%dma_start3A_356, %dma_start3A_357] : memref<400x128xf32, #tpu.memory_space<vmem>> -> memref<80x128xf32, #tpu.memory_space<vmem>>
      %dma_start3A_359 = arith.constant 0 : i32
      %dma_start3A_360 = tpu.memref_slice %arg9[%dma_start3A_355, %dma_start3A_359] : memref<5x80xi32, #tpu.memory_space<vmem>> -> memref<1x80xi32, #tpu.memory_space<vmem>>
      %dma_start3A_361 = tpu.memref_squeeze %dma_start3A_360 : memref<1x80xi32, #tpu.memory_space<vmem>> -> memref<80xi32, #tpu.memory_space<vmem>>
      %dma_start3A_362 = arith.constant 0 : i32
      %dma_start3A_363 = arith.constant 0 : i32
      %dma_start3A_364 = tpu.memref_slice %arg10[%dma_start3A_362, %dma_start3A_363] : memref<1024x128xf32, #tpu.memory_space<vmem_shared>> -> memref<1024x128xf32, #tpu.memory_space<vmem_shared>>
      tpu.enqueue_indirect_dma source(%dma_start3A_358 : memref<80x128xf32, #tpu.memory_space<vmem>>) target(%dma_start3A_364 : memref<1024x128xf32, #tpu.memory_space<vmem_shared>>) offsets(%dma_start3A_361 : memref<80xi32, #tpu.memory_space<vmem>>) semaphore(%arg13 : memref<!tpu.dma_semaphore, #tpu.memory_space<semaphore_mem>>) {add = true}
      %dma_start3A_365 = arith.constant 4 : i32
      %dma_start3A_366 = arith.constant 320 : i32
      %dma_start3A_367 = arith.constant 0 : i32
      %dma_start3A_368 = tpu.memref_slice %arg7[%dma_start3A_366, %dma_start3A_367] : memref<400x128xf32, #tpu.memory_space<vmem>> -> memref<80x128xf32, #tpu.memory_space<vmem>>
      %dma_start3A_369 = arith.constant 0 : i32
      %dma_start3A_370 = tpu.memref_slice %arg9[%dma_start3A_365, %dma_start3A_369] : memref<5x80xi32, #tpu.memory_space<vmem>> -> memref<1x80xi32, #tpu.memory_space<vmem>>
      %dma_start3A_371 = tpu.memref_squeeze %dma_start3A_370 : memref<1x80xi32, #tpu.memory_space<vmem>> -> memref<80xi32, #tpu.memory_space<vmem>>
      %dma_start3A_372 = arith.constant 0 : i32
      %dma_start3A_373 = arith.constant 0 : i32
      %dma_start3A_374 = tpu.memref_slice %arg10[%dma_start3A_372, %dma_start3A_373] : memref<1024x128xf32, #tpu.memory_space<vmem_shared>> -> memref<1024x128xf32, #tpu.memory_space<vmem_shared>>
      tpu.enqueue_indirect_dma source(%dma_start3A_368 : memref<80x128xf32, #tpu.memory_space<vmem>>) target(%dma_start3A_374 : memref<1024x128xf32, #tpu.memory_space<vmem_shared>>) offsets(%dma_start3A_371 : memref<80xi32, #tpu.memory_space<vmem>>) semaphore(%arg13 : memref<!tpu.dma_semaphore, #tpu.memory_space<semaphore_mem>>) {add = true}
      %dma_wait3A_375 = arith.constant 0 : i32
      %dma_wait3A_376 = arith.constant 0 : i32
      %dma_wait3A_377 = arith.constant 0 : i32
      %dma_wait3A_378 = tpu.memref_slice %arg7[%dma_wait3A_376, %dma_wait3A_377] : memref<400x128xf32, #tpu.memory_space<vmem>> -> memref<80x128xf32, #tpu.memory_space<vmem>>
      %dma_wait3A_379 = arith.constant 0 : i32
      %dma_wait3A_380 = tpu.memref_slice %arg9[%dma_wait3A_375, %dma_wait3A_379] : memref<5x80xi32, #tpu.memory_space<vmem>> -> memref<1x80xi32, #tpu.memory_space<vmem>>
      %dma_wait3A_381 = tpu.memref_squeeze %dma_wait3A_380 : memref<1x80xi32, #tpu.memory_space<vmem>> -> memref<80xi32, #tpu.memory_space<vmem>>
      %dma_wait3A_382 = arith.constant 0 : i32
      %dma_wait3A_383 = arith.constant 0 : i32
      %dma_wait3A_384 = tpu.memref_slice %arg10[%dma_wait3A_382, %dma_wait3A_383] : memref<1024x128xf32, #tpu.memory_space<vmem_shared>> -> memref<1024x128xf32, #tpu.memory_space<vmem_shared>>
      tpu.wait_indirect_dma semaphore(%arg13 : memref<!tpu.dma_semaphore, #tpu.memory_space<semaphore_mem>>) src(%dma_wait3A_378 : memref<80x128xf32, #tpu.memory_space<vmem>>) dst(%dma_wait3A_384 : memref<1024x128xf32, #tpu.memory_space<vmem_shared>>)
      %dma_wait3A_385 = arith.constant 1 : i32
      %dma_wait3A_386 = arith.constant 80 : i32
      %dma_wait3A_387 = arith.constant 0 : i32
      %dma_wait3A_388 = tpu.memref_slice %arg7[%dma_wait3A_386, %dma_wait3A_387] : memref<400x128xf32, #tpu.memory_space<vmem>> -> memref<80x128xf32, #tpu.memory_space<vmem>>
      %dma_wait3A_389 = arith.constant 0 : i32
      %dma_wait3A_390 = tpu.memref_slice %arg9[%dma_wait3A_385, %dma_wait3A_389] : memref<5x80xi32, #tpu.memory_space<vmem>> -> memref<1x80xi32, #tpu.memory_space<vmem>>
      %dma_wait3A_391 = tpu.memref_squeeze %dma_wait3A_390 : memref<1x80xi32, #tpu.memory_space<vmem>> -> memref<80xi32, #tpu.memory_space<vmem>>
      %dma_wait3A_392 = arith.constant 0 : i32
      %dma_wait3A_393 = arith.constant 0 : i32
      %dma_wait3A_394 = tpu.memref_slice %arg10[%dma_wait3A_392, %dma_wait3A_393] : memref<1024x128xf32, #tpu.memory_space<vmem_shared>> -> memref<1024x128xf32, #tpu.memory_space<vmem_shared>>
      tpu.wait_indirect_dma semaphore(%arg13 : memref<!tpu.dma_semaphore, #tpu.memory_space<semaphore_mem>>) src(%dma_wait3A_388 : memref<80x128xf32, #tpu.memory_space<vmem>>) dst(%dma_wait3A_394 : memref<1024x128xf32, #tpu.memory_space<vmem_shared>>)
      %dma_wait3A_395 = arith.constant 2 : i32
      %dma_wait3A_396 = arith.constant 160 : i32
      %dma_wait3A_397 = arith.constant 0 : i32
      %dma_wait3A_398 = tpu.memref_slice %arg7[%dma_wait3A_396, %dma_wait3A_397] : memref<400x128xf32, #tpu.memory_space<vmem>> -> memref<80x128xf32, #tpu.memory_space<vmem>>
      %dma_wait3A_399 = arith.constant 0 : i32
      %dma_wait3A_400 = tpu.memref_slice %arg9[%dma_wait3A_395, %dma_wait3A_399] : memref<5x80xi32, #tpu.memory_space<vmem>> -> memref<1x80xi32, #tpu.memory_space<vmem>>
      %dma_wait3A_401 = tpu.memref_squeeze %dma_wait3A_400 : memref<1x80xi32, #tpu.memory_space<vmem>> -> memref<80xi32, #tpu.memory_space<vmem>>
      %dma_wait3A_402 = arith.constant 0 : i32
      %dma_wait3A_403 = arith.constant 0 : i32
      %dma_wait3A_404 = tpu.memref_slice %arg10[%dma_wait3A_402, %dma_wait3A_403] : memref<1024x128xf32, #tpu.memory_space<vmem_shared>> -> memref<1024x128xf32, #tpu.memory_space<vmem_shared>>
      tpu.wait_indirect_dma semaphore(%arg13 : memref<!tpu.dma_semaphore, #tpu.memory_space<semaphore_mem>>) src(%dma_wait3A_398 : memref<80x128xf32, #tpu.memory_space<vmem>>) dst(%dma_wait3A_404 : memref<1024x128xf32, #tpu.memory_space<vmem_shared>>)
      %dma_wait3A_405 = arith.constant 3 : i32
      %dma_wait3A_406 = arith.constant 240 : i32
      %dma_wait3A_407 = arith.constant 0 : i32
      %dma_wait3A_408 = tpu.memref_slice %arg7[%dma_wait3A_406, %dma_wait3A_407] : memref<400x128xf32, #tpu.memory_space<vmem>> -> memref<80x128xf32, #tpu.memory_space<vmem>>
      %dma_wait3A_409 = arith.constant 0 : i32
      %dma_wait3A_410 = tpu.memref_slice %arg9[%dma_wait3A_405, %dma_wait3A_409] : memref<5x80xi32, #tpu.memory_space<vmem>> -> memref<1x80xi32, #tpu.memory_space<vmem>>
      %dma_wait3A_411 = tpu.memref_squeeze %dma_wait3A_410 : memref<1x80xi32, #tpu.memory_space<vmem>> -> memref<80xi32, #tpu.memory_space<vmem>>
      %dma_wait3A_412 = arith.constant 0 : i32
      %dma_wait3A_413 = arith.constant 0 : i32
      %dma_wait3A_414 = tpu.memref_slice %arg10[%dma_wait3A_412, %dma_wait3A_413] : memref<1024x128xf32, #tpu.memory_space<vmem_shared>> -> memref<1024x128xf32, #tpu.memory_space<vmem_shared>>
      tpu.wait_indirect_dma semaphore(%arg13 : memref<!tpu.dma_semaphore, #tpu.memory_space<semaphore_mem>>) src(%dma_wait3A_408 : memref<80x128xf32, #tpu.memory_space<vmem>>) dst(%dma_wait3A_414 : memref<1024x128xf32, #tpu.memory_space<vmem_shared>>)
      %dma_wait3A_415 = arith.constant 4 : i32
      %dma_wait3A_416 = arith.constant 320 : i32
      %dma_wait3A_417 = arith.constant 0 : i32
      %dma_wait3A_418 = tpu.memref_slice %arg7[%dma_wait3A_416, %dma_wait3A_417] : memref<400x128xf32, #tpu.memory_space<vmem>> -> memref<80x128xf32, #tpu.memory_space<vmem>>
      %dma_wait3A_419 = arith.constant 0 : i32
      %dma_wait3A_420 = tpu.memref_slice %arg9[%dma_wait3A_415, %dma_wait3A_419] : memref<5x80xi32, #tpu.memory_space<vmem>> -> memref<1x80xi32, #tpu.memory_space<vmem>>
      %dma_wait3A_421 = tpu.memref_squeeze %dma_wait3A_420 : memref<1x80xi32, #tpu.memory_space<vmem>> -> memref<80xi32, #tpu.memory_space<vmem>>
      %dma_wait3A_422 = arith.constant 0 : i32
      %dma_wait3A_423 = arith.constant 0 : i32
      %dma_wait3A_424 = tpu.memref_slice %arg10[%dma_wait3A_422, %dma_wait3A_423] : memref<1024x128xf32, #tpu.memory_space<vmem_shared>> -> memref<1024x128xf32, #tpu.memory_space<vmem_shared>>
      tpu.wait_indirect_dma semaphore(%arg13 : memref<!tpu.dma_semaphore, #tpu.memory_space<semaphore_mem>>) src(%dma_wait3A_418 : memref<80x128xf32, #tpu.memory_space<vmem>>) dst(%dma_wait3A_424 : memref<1024x128xf32, #tpu.memory_space<vmem_shared>>)
    }
    %scan3A_26 = arith.constant 12 : i32
    %add3A_27 = arith.constant 24 : i32
    %add3A_28 = arith.addi %mul3A_2, %add3A_27 : i32
    %mul3A_29 = arith.constant 400 : i32
    %mul3A_30 = arith.muli %add3A_28, %mul3A_29 : i32
    %multiple_of3A_31 = tpu.assume_multiple %mul3A_30, 16 : i32
    %dma_wait3A = arith.constant 0 : i32
    %dma_wait3A_32 = tpu.memref_slice %arg2[%multiple_of3A_31, %dma_wait3A] : memref<320000x128xf32, #tpu.memory_space<hbm>> -> memref<400x128xf32, #tpu.memory_space<hbm>>
    %dma_wait3A_33 = arith.constant 0 : i32
    %dma_wait3A_34 = tpu.memref_slice %arg2[%multiple_of3A_31, %dma_wait3A_33] : memref<320000x128xf32, #tpu.memory_space<hbm>> -> memref<400x128xf32, #tpu.memory_space<hbm>>
    tpu.wait_dma2 semaphore(%arg11 : memref<!tpu.dma_semaphore, #tpu.memory_space<semaphore_mem>>) src(%dma_wait3A_34 : memref<400x128xf32, #tpu.memory_space<hbm>>) dst(%arg6 : memref<400x128xf32, #tpu.memory_space<vmem>>)
    %add3A_35 = arith.constant 24 : i32
    %add3A_36 = arith.addi %mul3A_2, %add3A_35 : i32
    %dma_wait3A_37 = arith.constant 0 : i32
    %dma_wait3A_38 = arith.constant 0 : i32
    %dma_wait3A_39 = tpu.memref_slice %arg3[%add3A_36, %dma_wait3A_37, %dma_wait3A_38] : memref<800x5x80xi32, #tpu.memory_space<hbm>> -> memref<1x5x80xi32, #tpu.memory_space<hbm>>
    %dma_wait3A_40 = tpu.memref_squeeze %dma_wait3A_39 : memref<1x5x80xi32, #tpu.memory_space<hbm>> -> memref<5x80xi32, #tpu.memory_space<hbm>>
    %dma_wait3A_41 = arith.constant 0 : i32
    %dma_wait3A_42 = arith.constant 0 : i32
    %dma_wait3A_43 = tpu.memref_slice %arg3[%add3A_36, %dma_wait3A_41, %dma_wait3A_42] : memref<800x5x80xi32, #tpu.memory_space<hbm>> -> memref<1x5x80xi32, #tpu.memory_space<hbm>>
    %dma_wait3A_44 = tpu.memref_squeeze %dma_wait3A_43 : memref<1x5x80xi32, #tpu.memory_space<hbm>> -> memref<5x80xi32, #tpu.memory_space<hbm>>
    tpu.wait_dma2 semaphore(%arg11 : memref<!tpu.dma_semaphore, #tpu.memory_space<semaphore_mem>>) src(%dma_wait3A_44 : memref<5x80xi32, #tpu.memory_space<hbm>>) dst(%arg8 : memref<5x80xi32, #tpu.memory_space<vmem>>)
    %dma_start3A_45 = arith.constant 0 : i32
    %dma_start3A_46 = arith.constant 0 : i32
    %dma_start3A_47 = arith.constant 0 : i32
    %dma_start3A_48 = tpu.memref_slice %arg6[%dma_start3A_46, %dma_start3A_47] : memref<400x128xf32, #tpu.memory_space<vmem>> -> memref<80x128xf32, #tpu.memory_space<vmem>>
    %dma_start3A_49 = arith.constant 0 : i32
    %dma_start3A_50 = tpu.memref_slice %arg8[%dma_start3A_45, %dma_start3A_49] : memref<5x80xi32, #tpu.memory_space<vmem>> -> memref<1x80xi32, #tpu.memory_space<vmem>>
    %dma_start3A_51 = tpu.memref_squeeze %dma_start3A_50 : memref<1x80xi32, #tpu.memory_space<vmem>> -> memref<80xi32, #tpu.memory_space<vmem>>
    %dma_start3A_52 = arith.constant 0 : i32
    %dma_start3A_53 = arith.constant 0 : i32
    %dma_start3A_54 = tpu.memref_slice %arg10[%dma_start3A_52, %dma_start3A_53] : memref<1024x128xf32, #tpu.memory_space<vmem_shared>> -> memref<1024x128xf32, #tpu.memory_space<vmem_shared>>
    tpu.enqueue_indirect_dma source(%dma_start3A_48 : memref<80x128xf32, #tpu.memory_space<vmem>>) target(%dma_start3A_54 : memref<1024x128xf32, #tpu.memory_space<vmem_shared>>) offsets(%dma_start3A_51 : memref<80xi32, #tpu.memory_space<vmem>>) semaphore(%arg13 : memref<!tpu.dma_semaphore, #tpu.memory_space<semaphore_mem>>) {add = true}
    %dma_start3A_55 = arith.constant 1 : i32
    %dma_start3A_56 = arith.constant 80 : i32
    %dma_start3A_57 = arith.constant 0 : i32
    %dma_start3A_58 = tpu.memref_slice %arg6[%dma_start3A_56, %dma_start3A_57] : memref<400x128xf32, #tpu.memory_space<vmem>> -> memref<80x128xf32, #tpu.memory_space<vmem>>
    %dma_start3A_59 = arith.constant 0 : i32
    %dma_start3A_60 = tpu.memref_slice %arg8[%dma_start3A_55, %dma_start3A_59] : memref<5x80xi32, #tpu.memory_space<vmem>> -> memref<1x80xi32, #tpu.memory_space<vmem>>
    %dma_start3A_61 = tpu.memref_squeeze %dma_start3A_60 : memref<1x80xi32, #tpu.memory_space<vmem>> -> memref<80xi32, #tpu.memory_space<vmem>>
    %dma_start3A_62 = arith.constant 0 : i32
    %dma_start3A_63 = arith.constant 0 : i32
    %dma_start3A_64 = tpu.memref_slice %arg10[%dma_start3A_62, %dma_start3A_63] : memref<1024x128xf32, #tpu.memory_space<vmem_shared>> -> memref<1024x128xf32, #tpu.memory_space<vmem_shared>>
    tpu.enqueue_indirect_dma source(%dma_start3A_58 : memref<80x128xf32, #tpu.memory_space<vmem>>) target(%dma_start3A_64 : memref<1024x128xf32, #tpu.memory_space<vmem_shared>>) offsets(%dma_start3A_61 : memref<80xi32, #tpu.memory_space<vmem>>) semaphore(%arg13 : memref<!tpu.dma_semaphore, #tpu.memory_space<semaphore_mem>>) {add = true}
    %dma_start3A_65 = arith.constant 2 : i32
    %dma_start3A_66 = arith.constant 160 : i32
    %dma_start3A_67 = arith.constant 0 : i32
    %dma_start3A_68 = tpu.memref_slice %arg6[%dma_start3A_66, %dma_start3A_67] : memref<400x128xf32, #tpu.memory_space<vmem>> -> memref<80x128xf32, #tpu.memory_space<vmem>>
    %dma_start3A_69 = arith.constant 0 : i32
    %dma_start3A_70 = tpu.memref_slice %arg8[%dma_start3A_65, %dma_start3A_69] : memref<5x80xi32, #tpu.memory_space<vmem>> -> memref<1x80xi32, #tpu.memory_space<vmem>>
    %dma_start3A_71 = tpu.memref_squeeze %dma_start3A_70 : memref<1x80xi32, #tpu.memory_space<vmem>> -> memref<80xi32, #tpu.memory_space<vmem>>
    %dma_start3A_72 = arith.constant 0 : i32
    %dma_start3A_73 = arith.constant 0 : i32
    %dma_start3A_74 = tpu.memref_slice %arg10[%dma_start3A_72, %dma_start3A_73] : memref<1024x128xf32, #tpu.memory_space<vmem_shared>> -> memref<1024x128xf32, #tpu.memory_space<vmem_shared>>
    tpu.enqueue_indirect_dma source(%dma_start3A_68 : memref<80x128xf32, #tpu.memory_space<vmem>>) target(%dma_start3A_74 : memref<1024x128xf32, #tpu.memory_space<vmem_shared>>) offsets(%dma_start3A_71 : memref<80xi32, #tpu.memory_space<vmem>>) semaphore(%arg13 : memref<!tpu.dma_semaphore, #tpu.memory_space<semaphore_mem>>) {add = true}
    %dma_start3A_75 = arith.constant 3 : i32
    %dma_start3A_76 = arith.constant 240 : i32
    %dma_start3A_77 = arith.constant 0 : i32
    %dma_start3A_78 = tpu.memref_slice %arg6[%dma_start3A_76, %dma_start3A_77] : memref<400x128xf32, #tpu.memory_space<vmem>> -> memref<80x128xf32, #tpu.memory_space<vmem>>
    %dma_start3A_79 = arith.constant 0 : i32
    %dma_start3A_80 = tpu.memref_slice %arg8[%dma_start3A_75, %dma_start3A_79] : memref<5x80xi32, #tpu.memory_space<vmem>> -> memref<1x80xi32, #tpu.memory_space<vmem>>
    %dma_start3A_81 = tpu.memref_squeeze %dma_start3A_80 : memref<1x80xi32, #tpu.memory_space<vmem>> -> memref<80xi32, #tpu.memory_space<vmem>>
    %dma_start3A_82 = arith.constant 0 : i32
    %dma_start3A_83 = arith.constant 0 : i32
    %dma_start3A_84 = tpu.memref_slice %arg10[%dma_start3A_82, %dma_start3A_83] : memref<1024x128xf32, #tpu.memory_space<vmem_shared>> -> memref<1024x128xf32, #tpu.memory_space<vmem_shared>>
    tpu.enqueue_indirect_dma source(%dma_start3A_78 : memref<80x128xf32, #tpu.memory_space<vmem>>) target(%dma_start3A_84 : memref<1024x128xf32, #tpu.memory_space<vmem_shared>>) offsets(%dma_start3A_81 : memref<80xi32, #tpu.memory_space<vmem>>) semaphore(%arg13 : memref<!tpu.dma_semaphore, #tpu.memory_space<semaphore_mem>>) {add = true}
    %dma_start3A_85 = arith.constant 4 : i32
    %dma_start3A_86 = arith.constant 320 : i32
    %dma_start3A_87 = arith.constant 0 : i32
    %dma_start3A_88 = tpu.memref_slice %arg6[%dma_start3A_86, %dma_start3A_87] : memref<400x128xf32, #tpu.memory_space<vmem>> -> memref<80x128xf32, #tpu.memory_space<vmem>>
    %dma_start3A_89 = arith.constant 0 : i32
    %dma_start3A_90 = tpu.memref_slice %arg8[%dma_start3A_85, %dma_start3A_89] : memref<5x80xi32, #tpu.memory_space<vmem>> -> memref<1x80xi32, #tpu.memory_space<vmem>>
    %dma_start3A_91 = tpu.memref_squeeze %dma_start3A_90 : memref<1x80xi32, #tpu.memory_space<vmem>> -> memref<80xi32, #tpu.memory_space<vmem>>
    %dma_start3A_92 = arith.constant 0 : i32
    %dma_start3A_93 = arith.constant 0 : i32
    %dma_start3A_94 = tpu.memref_slice %arg10[%dma_start3A_92, %dma_start3A_93] : memref<1024x128xf32, #tpu.memory_space<vmem_shared>> -> memref<1024x128xf32, #tpu.memory_space<vmem_shared>>
    tpu.enqueue_indirect_dma source(%dma_start3A_88 : memref<80x128xf32, #tpu.memory_space<vmem>>) target(%dma_start3A_94 : memref<1024x128xf32, #tpu.memory_space<vmem_shared>>) offsets(%dma_start3A_91 : memref<80xi32, #tpu.memory_space<vmem>>) semaphore(%arg13 : memref<!tpu.dma_semaphore, #tpu.memory_space<semaphore_mem>>) {add = true}
    %dma_wait3A_95 = arith.constant 0 : i32
    %dma_wait3A_96 = arith.constant 0 : i32
    %dma_wait3A_97 = arith.constant 0 : i32
    %dma_wait3A_98 = tpu.memref_slice %arg6[%dma_wait3A_96, %dma_wait3A_97] : memref<400x128xf32, #tpu.memory_space<vmem>> -> memref<80x128xf32, #tpu.memory_space<vmem>>
    %dma_wait3A_99 = arith.constant 0 : i32
    %dma_wait3A_100 = tpu.memref_slice %arg8[%dma_wait3A_95, %dma_wait3A_99] : memref<5x80xi32, #tpu.memory_space<vmem>> -> memref<1x80xi32, #tpu.memory_space<vmem>>
    %dma_wait3A_101 = tpu.memref_squeeze %dma_wait3A_100 : memref<1x80xi32, #tpu.memory_space<vmem>> -> memref<80xi32, #tpu.memory_space<vmem>>
    %dma_wait3A_102 = arith.constant 0 : i32
    %dma_wait3A_103 = arith.constant 0 : i32
    %dma_wait3A_104 = tpu.memref_slice %arg10[%dma_wait3A_102, %dma_wait3A_103] : memref<1024x128xf32, #tpu.memory_space<vmem_shared>> -> memref<1024x128xf32, #tpu.memory_space<vmem_shared>>
    tpu.wait_indirect_dma semaphore(%arg13 : memref<!tpu.dma_semaphore, #tpu.memory_space<semaphore_mem>>) src(%dma_wait3A_98 : memref<80x128xf32, #tpu.memory_space<vmem>>) dst(%dma_wait3A_104 : memref<1024x128xf32, #tpu.memory_space<vmem_shared>>)
    %dma_wait3A_105 = arith.constant 1 : i32
    %dma_wait3A_106 = arith.constant 80 : i32
    %dma_wait3A_107 = arith.constant 0 : i32
    %dma_wait3A_108 = tpu.memref_slice %arg6[%dma_wait3A_106, %dma_wait3A_107] : memref<400x128xf32, #tpu.memory_space<vmem>> -> memref<80x128xf32, #tpu.memory_space<vmem>>
    %dma_wait3A_109 = arith.constant 0 : i32
    %dma_wait3A_110 = tpu.memref_slice %arg8[%dma_wait3A_105, %dma_wait3A_109] : memref<5x80xi32, #tpu.memory_space<vmem>> -> memref<1x80xi32, #tpu.memory_space<vmem>>
    %dma_wait3A_111 = tpu.memref_squeeze %dma_wait3A_110 : memref<1x80xi32, #tpu.memory_space<vmem>> -> memref<80xi32, #tpu.memory_space<vmem>>
    %dma_wait3A_112 = arith.constant 0 : i32
    %dma_wait3A_113 = arith.constant 0 : i32
    %dma_wait3A_114 = tpu.memref_slice %arg10[%dma_wait3A_112, %dma_wait3A_113] : memref<1024x128xf32, #tpu.memory_space<vmem_shared>> -> memref<1024x128xf32, #tpu.memory_space<vmem_shared>>
    tpu.wait_indirect_dma semaphore(%arg13 : memref<!tpu.dma_semaphore, #tpu.memory_space<semaphore_mem>>) src(%dma_wait3A_108 : memref<80x128xf32, #tpu.memory_space<vmem>>) dst(%dma_wait3A_114 : memref<1024x128xf32, #tpu.memory_space<vmem_shared>>)
    %dma_wait3A_115 = arith.constant 2 : i32
    %dma_wait3A_116 = arith.constant 160 : i32
    %dma_wait3A_117 = arith.constant 0 : i32
    %dma_wait3A_118 = tpu.memref_slice %arg6[%dma_wait3A_116, %dma_wait3A_117] : memref<400x128xf32, #tpu.memory_space<vmem>> -> memref<80x128xf32, #tpu.memory_space<vmem>>
    %dma_wait3A_119 = arith.constant 0 : i32
    %dma_wait3A_120 = tpu.memref_slice %arg8[%dma_wait3A_115, %dma_wait3A_119] : memref<5x80xi32, #tpu.memory_space<vmem>> -> memref<1x80xi32, #tpu.memory_space<vmem>>
    %dma_wait3A_121 = tpu.memref_squeeze %dma_wait3A_120 : memref<1x80xi32, #tpu.memory_space<vmem>> -> memref<80xi32, #tpu.memory_space<vmem>>
    %dma_wait3A_122 = arith.constant 0 : i32
    %dma_wait3A_123 = arith.constant 0 : i32
    %dma_wait3A_124 = tpu.memref_slice %arg10[%dma_wait3A_122, %dma_wait3A_123] : memref<1024x128xf32, #tpu.memory_space<vmem_shared>> -> memref<1024x128xf32, #tpu.memory_space<vmem_shared>>
    tpu.wait_indirect_dma semaphore(%arg13 : memref<!tpu.dma_semaphore, #tpu.memory_space<semaphore_mem>>) src(%dma_wait3A_118 : memref<80x128xf32, #tpu.memory_space<vmem>>) dst(%dma_wait3A_124 : memref<1024x128xf32, #tpu.memory_space<vmem_shared>>)
    %dma_wait3A_125 = arith.constant 3 : i32
    %dma_wait3A_126 = arith.constant 240 : i32
    %dma_wait3A_127 = arith.constant 0 : i32
    %dma_wait3A_128 = tpu.memref_slice %arg6[%dma_wait3A_126, %dma_wait3A_127] : memref<400x128xf32, #tpu.memory_space<vmem>> -> memref<80x128xf32, #tpu.memory_space<vmem>>
    %dma_wait3A_129 = arith.constant 0 : i32
    %dma_wait3A_130 = tpu.memref_slice %arg8[%dma_wait3A_125, %dma_wait3A_129] : memref<5x80xi32, #tpu.memory_space<vmem>> -> memref<1x80xi32, #tpu.memory_space<vmem>>
    %dma_wait3A_131 = tpu.memref_squeeze %dma_wait3A_130 : memref<1x80xi32, #tpu.memory_space<vmem>> -> memref<80xi32, #tpu.memory_space<vmem>>
    %dma_wait3A_132 = arith.constant 0 : i32
    %dma_wait3A_133 = arith.constant 0 : i32
    %dma_wait3A_134 = tpu.memref_slice %arg10[%dma_wait3A_132, %dma_wait3A_133] : memref<1024x128xf32, #tpu.memory_space<vmem_shared>> -> memref<1024x128xf32, #tpu.memory_space<vmem_shared>>
    tpu.wait_indirect_dma semaphore(%arg13 : memref<!tpu.dma_semaphore, #tpu.memory_space<semaphore_mem>>) src(%dma_wait3A_128 : memref<80x128xf32, #tpu.memory_space<vmem>>) dst(%dma_wait3A_134 : memref<1024x128xf32, #tpu.memory_space<vmem_shared>>)
    %dma_wait3A_135 = arith.constant 4 : i32
    %dma_wait3A_136 = arith.constant 320 : i32
    %dma_wait3A_137 = arith.constant 0 : i32
    %dma_wait3A_138 = tpu.memref_slice %arg6[%dma_wait3A_136, %dma_wait3A_137] : memref<400x128xf32, #tpu.memory_space<vmem>> -> memref<80x128xf32, #tpu.memory_space<vmem>>
    %dma_wait3A_139 = arith.constant 0 : i32
    %dma_wait3A_140 = tpu.memref_slice %arg8[%dma_wait3A_135, %dma_wait3A_139] : memref<5x80xi32, #tpu.memory_space<vmem>> -> memref<1x80xi32, #tpu.memory_space<vmem>>
    %dma_wait3A_141 = tpu.memref_squeeze %dma_wait3A_140 : memref<1x80xi32, #tpu.memory_space<vmem>> -> memref<80xi32, #tpu.memory_space<vmem>>
    %dma_wait3A_142 = arith.constant 0 : i32
    %dma_wait3A_143 = arith.constant 0 : i32
    %dma_wait3A_144 = tpu.memref_slice %arg10[%dma_wait3A_142, %dma_wait3A_143] : memref<1024x128xf32, #tpu.memory_space<vmem_shared>> -> memref<1024x128xf32, #tpu.memory_space<vmem_shared>>
    tpu.wait_indirect_dma semaphore(%arg13 : memref<!tpu.dma_semaphore, #tpu.memory_space<semaphore_mem>>) src(%dma_wait3A_138 : memref<80x128xf32, #tpu.memory_space<vmem>>) dst(%dma_wait3A_144 : memref<1024x128xf32, #tpu.memory_space<vmem_shared>>)
    %barrier3A_145 = arith.constant 0 : index
    tpu.barrier barrier_id(%barrier3A_145)
    "tpu.region"() ({
      %run_scoped3A = tpu.sem_alloc : memref<!tpu.dma_semaphore, #tpu.memory_space<semaphore_mem>>
      %dma_start3A_146 = arith.constant 0 : i32
      %dma_start3A_147 = tpu.memref_slice %arg5[%arg0, %mul3A_4, %dma_start3A_146] : memref<2x1024x128xf32, #tpu.memory_space<hbm>> -> memref<1x64x128xf32, #tpu.memory_space<hbm>>
      %dma_start3A_148 = tpu.memref_squeeze %dma_start3A_147 : memref<1x64x128xf32, #tpu.memory_space<hbm>> -> memref<64x128xf32, #tpu.memory_space<hbm>>
      %dma_start3A_149 = arith.constant 0 : i32
      %dma_start3A_150 = tpu.memref_slice %arg10[%mul3A_4, %dma_start3A_149] : memref<1024x128xf32, #tpu.memory_space<vmem_shared>> -> memref<64x128xf32, #tpu.memory_space<vmem_shared>>
      tpu.enqueue_dma source(%dma_start3A_150 : memref<64x128xf32, #tpu.memory_space<vmem_shared>>) target(%dma_start3A_148 : memref<64x128xf32, #tpu.memory_space<hbm>>) target_semaphore(%run_scoped3A : memref<!tpu.dma_semaphore, #tpu.memory_space<semaphore_mem>>)
      %dma_wait3A_151 = arith.constant 0 : i32
      %dma_wait3A_152 = tpu.memref_slice %arg5[%arg0, %mul3A_4, %dma_wait3A_151] : memref<2x1024x128xf32, #tpu.memory_space<hbm>> -> memref<1x64x128xf32, #tpu.memory_space<hbm>>
      %dma_wait3A_153 = tpu.memref_squeeze %dma_wait3A_152 : memref<1x64x128xf32, #tpu.memory_space<hbm>> -> memref<64x128xf32, #tpu.memory_space<hbm>>
      %dma_wait3A_154 = arith.constant 0 : i32
      %dma_wait3A_155 = tpu.memref_slice %arg10[%mul3A_4, %dma_wait3A_154] : memref<1024x128xf32, #tpu.memory_space<vmem_shared>> -> memref<64x128xf32, #tpu.memory_space<vmem_shared>>
      tpu.wait_dma2 semaphore(%run_scoped3A : memref<!tpu.dma_semaphore, #tpu.memory_space<semaphore_mem>>) src(%dma_wait3A_155 : memref<64x128xf32, #tpu.memory_space<vmem_shared>>) dst(%dma_wait3A_153 : memref<64x128xf32, #tpu.memory_space<hbm>>)
      tpu.yield
    }) : () -> ()
    return
  }
}

module attributes {stable_mosaic.version = 14 : i64} {
  func.func @_tc_head(%arg0: memref<2x1024x128xf32, #tpu.memory_space<vmem>>, %arg1: memref<1024x1xf32, #tpu.memory_space<vmem>>, %arg2: memref<1x128xf32, #tpu.memory_space<vmem>>, %arg3: memref<1x128xf32, #tpu.memory_space<vmem>>, %arg4: memref<128x128xf32, #tpu.memory_space<vmem>>, %arg5: memref<1x128xf32, #tpu.memory_space<vmem>>, %arg6: memref<128x128xf32, #tpu.memory_space<vmem>>, %arg7: memref<1x128xf32, #tpu.memory_space<vmem>>, %arg8: memref<1x128xf32, #tpu.memory_space<vmem>>, %arg9: memref<1x128xf32, #tpu.memory_space<vmem>>, %arg10: memref<1024x128xf32, #tpu.memory_space<vmem>>) attributes {dimension_semantics = [], scalar_prefetch = 0 : i64, scratch_operands = 0 : i64, tpu.core_type = #tpu.core_type<tc>} {
    %get3A = arith.constant 0 : index
    %get3A_0 = arith.constant 0 : index
    %get3A_1 = arith.constant 0 : index
    %get3A_2 = vector.load %arg0[%get3A, %get3A_0, %get3A_1] : memref<2x1024x128xf32, #tpu.memory_space<vmem>>, vector<1x1024x128xf32>
    %get3A_3 = vector.shape_cast %get3A_2 : vector<1x1024x128xf32> to vector<1024x128xf32>
    %get3A_4 = arith.constant 1 : index
    %get3A_5 = arith.constant 0 : index
    %get3A_6 = arith.constant 0 : index
    %get3A_7 = vector.load %arg0[%get3A_4, %get3A_5, %get3A_6] : memref<2x1024x128xf32, #tpu.memory_space<vmem>>, vector<1x1024x128xf32>
    %get3A_8 = vector.shape_cast %get3A_7 : vector<1x1024x128xf32> to vector<1024x128xf32>
    %add3A = arith.addf %get3A_3, %get3A_8 : vector<1024x128xf32>
    %get3A_9 = arith.constant 0 : index
    %get3A_10 = arith.constant 0 : index
    %get3A_11 = vector.load %arg1[%get3A_9, %get3A_10] : memref<1024x1xf32, #tpu.memory_space<vmem>>, vector<1024x1xf32>
    %max3A = arith.constant 1.000000e+00 : f32
    %max3A_12 = vector.broadcast %max3A : f32 to vector<1024x1xf32>
    %max3A_13 = arith.maximumf %get3A_11, %max3A_12 : vector<1024x1xf32>
    %div3A = vector.broadcast %max3A_13 : vector<1024x1xf32> to vector<1024x128xf32>
    %div3A_14 = arith.divf %add3A, %div3A : vector<1024x128xf32>
    %get3A_15 = arith.constant 0 : index
    %get3A_16 = arith.constant 0 : index
    %get3A_17 = vector.load %arg2[%get3A_15, %get3A_16] : memref<1x128xf32, #tpu.memory_space<vmem>>, vector<1x128xf32>
    %get3A_18 = arith.constant 0 : index
    %get3A_19 = arith.constant 0 : index
    %get3A_20 = vector.load %arg3[%get3A_18, %get3A_19] : memref<1x128xf32, #tpu.memory_space<vmem>>, vector<1x128xf32>
    %reduce_sum3A = arith.constant dense<0.000000e+00> : vector<1024xf32>
    %reduce_sum3A_21 = vector.multi_reduction <add>, %div3A_14, %reduce_sum3A [1] : vector<1024x128xf32> to vector<1024xf32>
    %broadcast_in_dim3A = vector.shape_cast %reduce_sum3A_21 : vector<1024xf32> to vector<1024x1xf32>
    %div3A_22 = arith.constant 1.280000e+02 : f32
    %div3A_23 = vector.broadcast %div3A_22 : f32 to vector<1024x1xf32>
    %div3A_24 = arith.divf %broadcast_in_dim3A, %div3A_23 : vector<1024x1xf32>
    %jit3A = arith.constant 0 : i32
    %reduce_sum3A_25 = arith.constant dense<0.000000e+00> : vector<1024xf32>
    %reduce_sum3A_26 = vector.multi_reduction <add>, %div3A_14, %reduce_sum3A_25 [1] : vector<1024x128xf32> to vector<1024xf32>
    %broadcast_in_dim3A_27 = vector.shape_cast %reduce_sum3A_26 : vector<1024xf32> to vector<1024x1xf32>
    %div3A_28 = arith.constant 1.280000e+02 : f32
    %div3A_29 = vector.broadcast %div3A_28 : f32 to vector<1024x1xf32>
    %div3A_30 = arith.divf %broadcast_in_dim3A_27, %div3A_29 : vector<1024x1xf32>
    %sub3A = vector.broadcast %div3A_30 : vector<1024x1xf32> to vector<1024x128xf32>
    %sub3A_31 = arith.subf %div3A_14, %sub3A : vector<1024x128xf32>
    %square3A = arith.mulf %sub3A_31, %sub3A_31 : vector<1024x128xf32>
    %convert_element_type3A = arith.sitofp %jit3A : i32 to f32
    %sub3A_32 = arith.constant 1.280000e+02 : f32
    %sub3A_33 = arith.subf %sub3A_32, %convert_element_type3A : f32
    %reduce_sum3A_34 = arith.constant dense<0.000000e+00> : vector<1024xf32>
    %reduce_sum3A_35 = vector.multi_reduction <add>, %square3A, %reduce_sum3A_34 [1] : vector<1024x128xf32> to vector<1024xf32>
    %broadcast_in_dim3A_36 = vector.shape_cast %reduce_sum3A_35 : vector<1024xf32> to vector<1024x1xf32>
    %div3A_37 = vector.broadcast %sub3A_33 : f32 to vector<1024x1xf32>
    %div3A_38 = arith.divf %broadcast_in_dim3A_36, %div3A_37 : vector<1024x1xf32>
    %gt3A = arith.constant 0.000000e+00 : f32
    %gt3A_39 = arith.cmpf ogt, %sub3A_33, %gt3A : f32
    %jit3A_40 = arith.constant 0x7FC00000 : f32
    %broadcast_in_dim3A_41 = vector.broadcast %jit3A_40 : f32 to vector<1024x1xf32>
    %select_n3A = arith.select %gt3A_39, %div3A_38, %broadcast_in_dim3A_41 : vector<1024x1xf32>
    %sub3A_42 = vector.broadcast %div3A_24 : vector<1024x1xf32> to vector<1024x128xf32>
    %sub3A_43 = arith.subf %div3A_14, %sub3A_42 : vector<1024x128xf32>
    %add3A_44 = arith.constant 9.99999974E-6 : f32
    %add3A_45 = vector.broadcast %add3A_44 : f32 to vector<1024x1xf32>
    %add3A_46 = arith.addf %select_n3A, %add3A_45 : vector<1024x1xf32>
    %rsqrt3A = math.rsqrt %add3A_46 : vector<1024x1xf32>
    %mul3A = vector.broadcast %rsqrt3A : vector<1024x1xf32> to vector<1024x128xf32>
    %mul3A_47 = arith.mulf %sub3A_43, %mul3A : vector<1024x128xf32>
    %mul3A_48 = vector.broadcast %get3A_17 : vector<1x128xf32> to vector<1024x128xf32>
    %mul3A_49 = arith.mulf %mul3A_47, %mul3A_48 : vector<1024x128xf32>
    %add3A_50 = vector.broadcast %get3A_20 : vector<1x128xf32> to vector<1024x128xf32>
    %add3A_51 = arith.addf %mul3A_49, %add3A_50 : vector<1024x128xf32>
    %get3A_52 = arith.constant 0 : index
    %get3A_53 = arith.constant 0 : index
    %get3A_54 = vector.load %arg4[%get3A_52, %get3A_53] : memref<128x128xf32, #tpu.memory_space<vmem>>, vector<128x128xf32>
    %dot_general3A = arith.constant dense<0.000000e+00> : vector<1024x128xf32>
    %dot_general3A_55 = tpu.matmul %add3A_51, %get3A_54, %dot_general3A {dimension_numbers = #tpu.dot_dimension_numbers<[1], [1], [0], [0], [0, 0, 1, 0], [], []>, precision = #tpu.contract_precision<fp32>, transpose_lhs_hint = false} : vector<1024x128xf32>, vector<128x128xf32>, vector<1024x128xf32> -> vector<1024x128xf32>
    %get3A_56 = arith.constant 0 : index
    %get3A_57 = arith.constant 0 : index
    %get3A_58 = vector.load %arg5[%get3A_56, %get3A_57] : memref<1x128xf32, #tpu.memory_space<vmem>>, vector<1x128xf32>
    %add3A_59 = vector.broadcast %get3A_58 : vector<1x128xf32> to vector<1024x128xf32>
    %add3A_60 = arith.addf %dot_general3A_55, %add3A_59 : vector<1024x128xf32>
    %gt3A_61 = arith.constant 0.000000e+00 : f32
    %gt3A_62 = vector.broadcast %gt3A_61 : f32 to vector<1024x128xf32>
    %gt3A_63 = arith.cmpf ogt, %add3A_60, %gt3A_62 : vector<1024x128xf32>
    %min3A = arith.constant 0.000000e+00 : f32
    %min3A_64 = vector.broadcast %min3A : f32 to vector<1024x128xf32>
    %min3A_65 = arith.minimumf %add3A_60, %min3A_64 : vector<1024x128xf32>
    %exp3A = math.exp %min3A_65 : vector<1024x128xf32>
    %sub3A_66 = arith.constant 1.000000e+00 : f32
    %sub3A_67 = vector.broadcast %sub3A_66 : f32 to vector<1024x128xf32>
    %sub3A_68 = arith.subf %exp3A, %sub3A_67 : vector<1024x128xf32>
    %select_n3A_69 = arith.select %gt3A_63, %add3A_60, %sub3A_68 : vector<1024x128xi1>, vector<1024x128xf32>
    %get3A_70 = arith.constant 0 : index
    %get3A_71 = arith.constant 0 : index
    %get3A_72 = vector.load %arg6[%get3A_70, %get3A_71] : memref<128x128xf32, #tpu.memory_space<vmem>>, vector<128x128xf32>
    %dot_general3A_73 = arith.constant dense<0.000000e+00> : vector<1024x128xf32>
    %dot_general3A_74 = tpu.matmul %select_n3A_69, %get3A_72, %dot_general3A_73 {dimension_numbers = #tpu.dot_dimension_numbers<[1], [1], [0], [0], [0, 0, 1, 0], [], []>, precision = #tpu.contract_precision<fp32>, transpose_lhs_hint = false} : vector<1024x128xf32>, vector<128x128xf32>, vector<1024x128xf32> -> vector<1024x128xf32>
    %get3A_75 = arith.constant 0 : index
    %get3A_76 = arith.constant 0 : index
    %get3A_77 = vector.load %arg7[%get3A_75, %get3A_76] : memref<1x128xf32, #tpu.memory_space<vmem>>, vector<1x128xf32>
    %add3A_78 = vector.broadcast %get3A_77 : vector<1x128xf32> to vector<1024x128xf32>
    %add3A_79 = arith.addf %dot_general3A_74, %add3A_78 : vector<1024x128xf32>
    %add3A_80 = arith.addf %add3A_79, %add3A_51 : vector<1024x128xf32>
    %get3A_81 = arith.constant 0 : index
    %get3A_82 = arith.constant 0 : index
    %get3A_83 = vector.load %arg8[%get3A_81, %get3A_82] : memref<1x128xf32, #tpu.memory_space<vmem>>, vector<1x128xf32>
    %get3A_84 = arith.constant 0 : index
    %get3A_85 = arith.constant 0 : index
    %get3A_86 = vector.load %arg9[%get3A_84, %get3A_85] : memref<1x128xf32, #tpu.memory_space<vmem>>, vector<1x128xf32>
    %reduce_sum3A_87 = arith.constant dense<0.000000e+00> : vector<1024xf32>
    %reduce_sum3A_88 = vector.multi_reduction <add>, %add3A_80, %reduce_sum3A_87 [1] : vector<1024x128xf32> to vector<1024xf32>
    %broadcast_in_dim3A_89 = vector.shape_cast %reduce_sum3A_88 : vector<1024xf32> to vector<1024x1xf32>
    %div3A_90 = arith.constant 1.280000e+02 : f32
    %div3A_91 = vector.broadcast %div3A_90 : f32 to vector<1024x1xf32>
    %div3A_92 = arith.divf %broadcast_in_dim3A_89, %div3A_91 : vector<1024x1xf32>
    %jit3A_93 = arith.constant 0 : i32
    %reduce_sum3A_94 = arith.constant dense<0.000000e+00> : vector<1024xf32>
    %reduce_sum3A_95 = vector.multi_reduction <add>, %add3A_80, %reduce_sum3A_94 [1] : vector<1024x128xf32> to vector<1024xf32>
    %broadcast_in_dim3A_96 = vector.shape_cast %reduce_sum3A_95 : vector<1024xf32> to vector<1024x1xf32>
    %div3A_97 = arith.constant 1.280000e+02 : f32
    %div3A_98 = vector.broadcast %div3A_97 : f32 to vector<1024x1xf32>
    %div3A_99 = arith.divf %broadcast_in_dim3A_96, %div3A_98 : vector<1024x1xf32>
    %sub3A_100 = vector.broadcast %div3A_99 : vector<1024x1xf32> to vector<1024x128xf32>
    %sub3A_101 = arith.subf %add3A_80, %sub3A_100 : vector<1024x128xf32>
    %square3A_102 = arith.mulf %sub3A_101, %sub3A_101 : vector<1024x128xf32>
    %convert_element_type3A_103 = arith.sitofp %jit3A_93 : i32 to f32
    %sub3A_104 = arith.constant 1.280000e+02 : f32
    %sub3A_105 = arith.subf %sub3A_104, %convert_element_type3A_103 : f32
    %reduce_sum3A_106 = arith.constant dense<0.000000e+00> : vector<1024xf32>
    %reduce_sum3A_107 = vector.multi_reduction <add>, %square3A_102, %reduce_sum3A_106 [1] : vector<1024x128xf32> to vector<1024xf32>
    %broadcast_in_dim3A_108 = vector.shape_cast %reduce_sum3A_107 : vector<1024xf32> to vector<1024x1xf32>
    %div3A_109 = vector.broadcast %sub3A_105 : f32 to vector<1024x1xf32>
    %div3A_110 = arith.divf %broadcast_in_dim3A_108, %div3A_109 : vector<1024x1xf32>
    %gt3A_111 = arith.constant 0.000000e+00 : f32
    %gt3A_112 = arith.cmpf ogt, %sub3A_105, %gt3A_111 : f32
    %jit3A_113 = arith.constant 0x7FC00000 : f32
    %broadcast_in_dim3A_114 = vector.broadcast %jit3A_113 : f32 to vector<1024x1xf32>
    %select_n3A_115 = arith.select %gt3A_112, %div3A_110, %broadcast_in_dim3A_114 : vector<1024x1xf32>
    %sub3A_116 = vector.broadcast %div3A_92 : vector<1024x1xf32> to vector<1024x128xf32>
    %sub3A_117 = arith.subf %add3A_80, %sub3A_116 : vector<1024x128xf32>
    %add3A_118 = arith.constant 9.99999974E-6 : f32
    %add3A_119 = vector.broadcast %add3A_118 : f32 to vector<1024x1xf32>
    %add3A_120 = arith.addf %select_n3A_115, %add3A_119 : vector<1024x1xf32>
    %rsqrt3A_121 = math.rsqrt %add3A_120 : vector<1024x1xf32>
    %mul3A_122 = vector.broadcast %rsqrt3A_121 : vector<1024x1xf32> to vector<1024x128xf32>
    %mul3A_123 = arith.mulf %sub3A_117, %mul3A_122 : vector<1024x128xf32>
    %mul3A_124 = vector.broadcast %get3A_83 : vector<1x128xf32> to vector<1024x128xf32>
    %mul3A_125 = arith.mulf %mul3A_123, %mul3A_124 : vector<1024x128xf32>
    %add3A_126 = vector.broadcast %get3A_86 : vector<1x128xf32> to vector<1024x128xf32>
    %add3A_127 = arith.addf %mul3A_125, %add3A_126 : vector<1024x128xf32>
    %swap3A = arith.constant 0 : index
    %swap3A_128 = arith.constant 0 : index
    %swap3A_129 = vector.load %arg10[%swap3A, %swap3A_128] : memref<1024x128xf32, #tpu.memory_space<vmem>>, vector<1024x128xf32>
    tpu.vector_store %arg10[%swap3A, %swap3A_128], %add3A_127 {strides = array<i32>} : memref<1024x128xf32, #tpu.memory_space<vmem>>, vector<1024x128xf32>,
    return
  }
}

</mosaic_0001>

<sc_bundles>
// kernel: kernel.4.cloned.1.call-start
scs
__scs_entry_jumppad:
0x0: {  	(pc) =	sbr.rel $0x88, $3  }
0x1: {  	(tag) =	ssettag $0x0;
	lr =	simm.s32 $0x1  }
0x2: {  	[smem:$0x3F97] =	sst lr;
	_ =	strace $0xD0000000  }
0x3: {  	_ = 	snop  }
0x4: {  	_ = 	snop  }
0x5: {  	_ = 	snop  }
0x6: {  	_ = 	snop  }
0x7: {  	_ = 	snop  }
__scs_overlays_trampoline_lowered:
0x8: {  	[smem:$0x3FA6] =	sst s0  }
0x9: {  	[smem:$0x3FA7] =	sst s1  }
0xa: {  	[smem:$0x3FA8] =	sst s2  }
0xb: {  	[smem:$0x3FA9] =	sst s3  }
0xc: {  	[smem:$0x3FAA] =	sst s4  }
0xd: {  	[smem:$0x3FAB] =	sst s5  }
0xe: {  	[smem:$0x3FAC] =	sst s6  }
0xf: {  	[smem:$0x3FAD] =	sst s7  }
0x10: {  	[smem:$0x3FAE] =	sst s8  }
0x11: {  	[smem:$0x3FAF] =	sst s9;
	s0 =	simm.s32 @!p0 $0x0  }
0x12: {  	s1 =	sld [smem:$0x3F95];
	s0 =	simm.s32 @p0 $0x1  }
0x13: {  	[smem:$0x3FB0] =	sst s0;
	s0 =	simm.s32 @!p1 $0x0  }
0x14: {  	s2 =	sld [smem:$0x3F94];
	s0 =	simm.s32 @p1 $0x1  }
0x15: {  	[smem:$0x3FB1] =	sst s0;
	s0 =	simm.s32 @!p2 $0x0  }
0x16: {  	s3 =	sld [smem:$0x3FDB];
	s0 =	simm.s32 @p2 $0x1  }
0x17: {  	s4 =	simm.s32 $0x1BF5;
	[smem:$0x3FB3] =	sst s0  }
0x18: {  	s0 =	sld [smem:$0x3F96];
	_ =	swait.ge [sflag:s4], $0x0  }
0x19: {  	s7 =	sld [smem:$0x3F97]  }
0x1a: {  	s8 =	sadd.s32 $0xFFFFE003, lr  }
0x1b: {  	s9 =	sadd.s32 $0xFFFFFEF7, lr;
	s5 =	simm.s32 $0xFFFFFFFF;
	p2 =	slt.u32 s8, $0xFFFFF086  }
0x1c: {  	p1 =	slt.u32 s9, $0xF7A;
	s5 =	simm.s32 @!p2 $0x0  }
0x1d: {  	s5 =	simm.s32 @p1 $0x1;
	p0 =	seq.s32 s7, s2  }
0x1e: {  	s7 =	smul.u32 @!p0 $0xF7A, s2;
	p2 =	seq.s32 @!p0 s5, $0x0  }
0x1f: {  	s9 =	smul.u32 $0xF7A, s1;
	s8 =	simm.s32 @!p0 $0x1BF5;
	p2 =	por !p2, p0  }
0x20: {  	[sflag:s8] =	ssyncset.s32 @!p0 $0xFFFFF086;
	s6 =	sadd.s32 @!p0 s3, s7;
	s7 =	simm.s32 @!p0 $0x108  }
0x21: {  	s3 =	sadd.s32 s3, s9;
	s6 =	sadd.s32 @!p0 $0x88, s6;
	s7 =	simm.s32 @p2 $0x1082  }
0x22: {  	[simem:s7], [sflag:s8] =	dma.local @!p0 [hbm:s6], $0xF7A  }
0x23: {  	s9 =	sor.u32 $0xD0000000, s2;
	s6 =	simm.s32 $0x108;
	_ =	swait.ge @!p0 [sflag:s8], $0x0  }
0x24: {  	s3 =	sadd.s32 $0x88, s3;
	s6 =	simm.s32 @!p1 $0x1082;
	[sflag:s4] =	ssyncset.s32 $0xFFFFF086  }
0x25: {  	[simem:s6], [sflag:s4] =	dma.local [hbm:s3], $0xF7A  }
0x26: {  	[smem:$0x3F97] =	sst s1;
	(tag) =	ssettag s2;
	_ =	strace s9  }
0x27: {  	s1 =	sld [smem:$0x3FA7]  }
0x28: {  	s2 =	sld [smem:$0x3FA8]  }
0x29: {  	s4 =	sld [smem:$0x3FAA]  }
0x2a: {  	p0 =	seq.s32 s5, $0x0;
	s5 =	sld [smem:$0x3FAB]  }
0x2b: {  	s6 =	sld [smem:$0x3FAC]  }
0x2c: {  	s7 =	sld [smem:$0x3FAD]  }
0x2d: {  	s3 =	simm.s32 $0x108;
	s8 =	sld [smem:$0x3FAE]  }
0x2e: {  	s3 =	simm.s32 @!p0 $0x1082;
	s9 =	sld [smem:$0x3FAF]  }
0x2f: {  	lr =	sadd.s32 s0, s3;
	s0 =	sld [smem:$0x3FA6]  }
0x30: {  	s3 =	sld [smem:$0x3FA9]  }
0x31: {  	[smem:$0x3FB2] =	sst s10  }
0x32: {  	s10 =	sld [smem:$0x3FB0];
	_ =	sdelay $0x3  }
0x33: {  	p0 =	seq.s32 s10, $0x1;
	s10 =	sld [smem:$0x3FB2];
	_ =	sdelay $0x3  }
0x34: {  	[smem:$0x3FB2] =	sst s10  }
0x35: {  	s10 =	sld [smem:$0x3FB1];
	_ =	sdelay $0x3  }
0x36: {  	p1 =	seq.s32 s10, $0x1;
	s10 =	sld [smem:$0x3FB2];
	_ =	sdelay $0x3  }
0x37: {  	[smem:$0x3FB2] =	sst s10  }
0x38: {  	s10 =	sld [smem:$0x3FB3]  }
0x39: {  	_ = 	snop;
	(pc) =	sbr.ind lr, $3  }
0x3a: {  	_ = 	snop  }
0x3b: {  	_ = 	snop  }
0x3c: {  	p2 =	seq.s32 s10, $0x1;
	s10 =	sld [smem:$0x3FB2]  }
0x3d: {  	_ =	shalt  }
0x3e: {  	_ =	shalt  }
0x3f: {  	_ =	shalt  }
0x40: {  	_ =	shalt  }
0x41: {  	_ =	shalt  }
0x42: {  	_ =	shalt  }
0x43: {  	_ =	shalt  }
0x44: {  	_ =	shalt  }
0x45: {  	_ =	shalt  }
0x46: {  	_ =	shalt  }
0x47: {  	_ =	shalt  }
0x48: {  	_ =	shalt  }
0x49: {  	_ =	shalt  }
0x4a: {  	_ =	shalt  }
0x4b: {  	_ =	shalt  }
0x4c: {  	_ =	shalt  }
0x4d: {  	_ =	shalt  }
0x4e: {  	_ =	shalt  }
0x4f: {  	_ =	shalt  }
0x50: {  	_ =	shalt  }
0x51: {  	_ =	shalt  }
0x52: {  	_ =	shalt  }
0x53: {  	_ =	shalt  }
0x54: {  	_ =	shalt  }
0x55: {  	_ =	shalt  }
0x56: {  	_ =	shalt  }
0x57: {  	_ =	shalt  }
0x58: {  	_ =	shalt  }
0x59: {  	_ =	shalt  }
0x5a: {  	_ =	shalt  }
0x5b: {  	_ =	shalt  }
0x5c: {  	_ =	shalt  }
0x5d: {  	_ =	shalt  }
0x5e: {  	_ =	shalt  }
0x5f: {  	_ =	shalt  }
0x60: {  	_ =	shalt  }
0x61: {  	_ =	shalt  }
0x62: {  	_ =	shalt  }
0x63: {  	_ =	shalt  }
0x64: {  	_ =	shalt  }
0x65: {  	_ =	shalt  }
0x66: {  	_ =	shalt  }
0x67: {  	_ =	shalt  }
0x68: {  	_ =	shalt  }
0x69: {  	_ =	shalt  }
0x6a: {  	_ =	shalt  }
0x6b: {  	_ =	shalt  }
0x6c: {  	_ =	shalt  }
0x6d: {  	_ =	shalt  }
0x6e: {  	_ =	shalt  }
0x6f: {  	_ =	shalt  }
0x70: {  	_ =	shalt  }
0x71: {  	_ =	shalt  }
0x72: {  	_ =	shalt  }
0x73: {  	_ =	shalt  }
0x74: {  	_ =	shalt  }
0x75: {  	_ =	shalt  }
0x76: {  	_ =	shalt  }
0x77: {  	_ =	shalt  }
0x78: {  	_ =	shalt  }
0x79: {  	_ =	shalt  }
0x7a: {  	_ =	shalt  }
0x7b: {  	_ =	shalt  }
0x7c: {  	_ =	shalt  }
0x7d: {  	_ =	shalt  }
0x7e: {  	_ =	shalt  }
0x7f: {  	_ =	shalt  }
0x80: {  	_ =	shalt  }
0x81: {  	_ =	shalt  }
0x82: {  	_ =	shalt  }
0x83: {  	_ =	shalt  }
0x84: {  	_ =	shalt  }
0x85: {  	_ =	shalt  }
0x86: {  	_ =	shalt  }
0x87: {  	_ =	shalt  }
.Lfunc_end0:
.L_simem_size_0:
called_computation_lowered:
.L_overlay_start_0:
0x88: {  	s2 =	sld [smem:$0x3FD9]  }
0x89: {  	s3 =	sld [smem:$0x3FFE];
	_ =	sdelay $0x1  }
0x8a: {  	s1 =	srdreg.scid  }
0x8b: {  	s0 =	sand.u32 $0x1, s1  }
0x8c: {  	s17 =	sshll.u32 s0, $0xA;
	s2 =	sadd.s32 s3, s2  }
0x8d: {  	s2 =	sadd.s32 s2, s17  }
0x8e: {  	[smem:$0x3FBE] =	sst s2  }
0x8f: {  	_ = 	snop  }
0x90: {  	s2 =	sld [smem:$0x3FC9]  }
0x91: {  	s18 =	sld [smem:$0x3FD0];
	(tm) =	ssettm $0x1  }
0x92: {  	s4 =	sld [smem:$0x3FFB];
	_ =	sdelay $0x3  }
0x93: {  	_ =	strace s4  }
0x94: {  	s4 =	sld [smem:$0x3FFC];
	_ =	sdelay $0x3  }
0x95: {  	_ =	strace s4  }
0x96: {  	s4 =	sld [smem:$0x3FFD];
	_ =	sdelay $0x3  }
0x97: {  	_ =	strace s4  }
0x98: {  	_ =	strace $0x8FFFFFFF  }
0x99: {  	s19 =	sld [smem:$0x3FDB];
	_ =	sdelay $0x1  }
0x9a: {  	s5 =	simm.s32 $_scs_section_size  }
0x9b: {  	s6 =	simm.s32 $_size__tile_overlayer_lowered;
	s7 =	simm.s32 $_tile_overlayer_lowered  }
0x9c: {  	s22 =	simm.s32 $0x1BFF;
	s21 =	sshll.u32 s7, $0x1;
	s4 =	sadd.s32 s5, s19  }
0x9d: {  	s8 =	simm.s32 $0x0;
	s20 =	sshll.u32 s6, $0x1;
	s6 =	sadd.s32 s21, s4  }
0x9e: {  	[timem:s8], [sflag:s22] =	dma.local [hbm:s6], s20  }
0x9f: {  	_ =	swait.ge [sflag:s22], s20  }
0xa0: {  	s5 =	ssub.s32 $0x0, s20;
	[sflag:s22] =	ssyncset.done $0x0  }
0xa1: {  	[sflag:s22] =	ssyncadd.s32 s5;
	_ =	sdelay $0x1  }
0xa2: {  	s23 =	simm.s32 $0x1B8B  }
0xa3: {  	_ =	swait.ge [sflag:s23], $0x1  }
0xa4: {  	[sflag:s23] =	ssyncset.done $0x0  }
0xa5: {  	s25 =	simm.s32 $0x1B8E;
	s24 =	sld [smem:$0x3FFE];
	[sflag:s23] =	ssyncadd.s32 $0xFFFFFFFF  }
0xa6: {  	s26 =	simm.s32 $execute0_lowered;
	[smem:$0x3FD2] =	sst s25  }
0xa7: {  	s6 =	sshll.u32 s26, $0x1;
	_ =	strace $0x80000046;
	[dreg:$0x1] =	wrdreg $0xFFFFFFFF  }
0xa8: {  	s28 =	simm.s32 $_size_execute0_lowered;
	s4 =	sadd.s32 s4, s6;
	[dreg:$0x0] =	wrdreg $0x0  }
0xa9: {  	s6 =	sshll.u32 s28, $0x1;
	[dreg:$0x2] =	wrdreg s4  }
0xaa: {  	[dreg:$0x3] =	wrdreg s6  }
0xab: {  	[dreg:$0x4] =	wrdreg $0xC0  }
0xac: {  	_ =	task [dreg:s8], $0x5FFFF  }
0xad: {  	[dreg:$0x1] =	wrdreg $0xFFFFFFFF  }
0xae: {  	[dreg:$0x0] =	wrdreg $0x60  }
0xaf: {  	[dreg:$0x2] =	wrdreg s2  }
0xb0: {  	[dreg:$0x3] =	wrdreg s24  }
0xb1: {  	[dreg:$0x4] =	wrdreg s18  }
0xb2: {  	[dreg:$0x5] =	wrdreg $0x198000  }
0xb3: {  	[dreg:$0x6] =	wrdreg $0x9  }
0xb4: {  	_ =	task.clear_ibuf [dreg:s8], $0x7FFFF;
	_ =	strace $0x90000046  }
0xb5: {  	s29 =	simm.s32 $0x9;
	_ =	strace $0x80000048  }
0xb6: {  	_ =	swait.ge [sflag:s29], $0x1  }
0xb7: {  	[sflag:s29] =	ssyncadd.s32 $0xFFFFFFFF  }
0xb8: {  	_ =	strace $0x90000048  }
0xb9: {  	_ =	sfence  }
0xba: {  	s30 =	sld [smem:$0x0];
	_ =	sdelay $0x2  }
0xbb: {  	s31 =	sshll.u32 s1, $0xD;
	s1 =	sshrl.u32 s1, $0x2  }
0xbc: {  	s3 =	sand.u32 $0x4000, s31;
	s1 =	sadd.s32 s1, s30  }
0xbd: {  	s0 =	sor.u32 s3, s0;
	s1 =	sshll.u32 s1, $0x11  }
0xbe: {  	s0 =	sor.u32 s1, s0  }
0xbf: {  	s0 =	sadd.s32 $0x8F2B, s0  }
0xc0: {  	[sflag:s0] =	ssyncadd.remote.s32 $0x1  }
0xc1: {  	_ =	sfence.sel $0xFFFF  }
0xc2: {  	[dreg:$0x0] =	wrdreg $0xFFFFFFFF;
	(pc) =	sbr.abs _section_cstart, $3  }
0xc3: {  	[dreg:$0x1] =	wrdreg $0xFFFFFFFF  }
0xc4: {  	_ =	task.clear_ibuf [dreg:s8], $0x2FFFF;
	_ =	strace $0x9FFFFFFF  }
0xc5: {  	(tm) =	ssettm $0x7FFFFFFF  }
tec
execute0_lowered:
.L_overlay_start_1:
0x0: {  	(tag) =	ssettag $0x1  }
0x1: {  	s0 =	rddreg [dreg:$0x0]  }
0x2: {  	s1 =	rddreg [dreg:$0x1]  }
0x3: {  	s4 =	rddreg [dreg:$0x2]  }
0x4: {  	s2 =	rddreg [dreg:$0x3];
	s3 =	simm.s32 $0x0  }
0x5: {  	s13 =	stileid.u32;
	s5 =	srdreg.scid;
	s25 =	simm.s32 $0x19480  }
0x6: {  	s26 =	simm.s32 $0xF000;
	s28 =	simm.s32 $0x3;
	s29 =	simm.s32 $0x2  }
0x7: {  	s30 =	simm.s32 $0x19500;
	s31 =	simm.s32 $0x11800;
	[smem:$0x7FF] =	sst s3  }
0x8: {  	s5 =	sand.u32 $0x1, s5;
	s6 =	sshll.u32 s13, $0x1;
	s7 =	sadd.s32 $0x1C00, s1  }
0x9: {  	s8 =	sshll.u32 s13, $0xA;
	s12 =	sshll.u32 s13, $0xD;
	s15 =	smul.u32 $0x4E200, s13  }
0xa: {  	s16 =	sshll.u32 s13, $0x6;
	s17 =	smul.u32 $0x32, s13;
	s13 =	simm.s32 $0x4  }
0xb: {  	_ =	strace $0x80000047;
	s6 =	sor.u32 s5, s6;
	s1 =	sadd.s32 s8, s1  }
0xc: {  	s9 =	ssub.s32 $0x2, s5;
	s14 =	sadd.s32 s12, s2;
	s4 =	sadd.s32 s4, s8  }
0xd: {  	s18 =	sor.u32 $0x1C04, s16;
	s20 =	smul.u32 $0x19, s5;
	s21 =	sshll.u32 s5, $0xE  }
0xe: {  	s5 =	smul.u32 $0x27100, s5;
	s16 =	simm.s32 $0xC800;
	[dreg:$0x6] =	wrdreg s25  }
0xf: {  	[dreg:$0x7] =	wrdreg s26;
	s25 =	simm.s32 $0x19200;
	s10 =	smul.u32 $0x27100, s6  }
0x10: {  	s26 =	simm.s32 $0xA000;
	s11 =	sshrl.u32 s9, $0x1;
	s6 =	smul.u32 $0xC80, s6  }
0x11: {  	[dreg:$0x8] =	wrdreg s4;
	s1 =	sadd.s32 s21, s1;
	s21 =	simm.s32 $0x19100  }
0x12: {  	s9 =	ssub.s32 s9, s11;
	s4 =	sadd.s32 s20, s17;
	s1 =	sadd.s32 $0x1AC00, s1  }
0x13: {  	s17 =	simm.s32 $0x19400;
	s20 =	simm.s32 $0x2800;
	s19 =	sadd.s32 s0, s10  }
0x14: {  	s6 =	sadd.s32 s7, s6;
	s0 =	sadd.s32 s15, s0;
	[dreg:$0xb] =	wrdreg s1  }
0x15: {  	s22 =	sshll.u32 s4, $0x7;
	s23 =	smax.u32 s9, $0x1;
	s9 =	smov.u32 s18  }
0x16: {  	s10 =	sshrl.u32 s14, $0x3;
	s14 =	simm.s32 $0x19000;
	[dreg:$0x9] =	wrdreg s19  }
0x17: {  	s15 =	simm.s32 $0x1;
	s18 =	simm.s32 $0x50;
	[dreg:$0xa] =	wrdreg s6  }
0x18: {  	s4 =	simm.s32 $0x19600;
	s0 =	sadd.s32 s5, s0;
	[dreg:$0xc] =	wrdreg s23  }
0x19: {  	s24 =	sadd.s32 s22, s7;
	s19 =	simm.s32 $0x19080;
	s22 =	simm.s32 $0x5000  }
0x1a: {  	s23 =	simm.s32 $0x19180;
	s6 =	simm.s32 $0x16800;
	[dreg:$0xf] =	wrdreg s10  }
0x1b: {  	s7 =	simm.s32 $0x0;
	[dreg:$0x5] =	wrdreg s0;
	s1 =	sadd.s32 $0x100, s24  }
0x1c: {  	s0 =	sadd.s32 $0x80, s24;
	s24 =	simm.s32 $0x7800;
	[dreg:$0xd] =	wrdreg s1  }
0x1d: {  	[dreg:$0xe] =	wrdreg s0;
	s0 =	simm.s32 $0x19580;
	s1 =	simm.s32 $0x14000  }
.LBB2_1:
0x1e: {  	s8 =	rddreg [dreg:$0x8]  }
0x1f: {  	[spmem:s10], [sflag:s9] =	dma.local [hbm:s8], $0x400  }
0x20: {  	_ =	swait.ge [sflag:s13], $0x400  }
0x21: {  	[sflag:s13] =	ssyncset.done $0x0  }
0x22: {  	[sflag:s13] =	ssyncadd.s32 $0xFFFFFC00  }
0x23: {  	[bflag:$0x0] =	sbarrier.arrive $0xFFFF  }
0x24: {  	s10 =	rddreg [dreg:$0x9]  }
0x25: {  	[tilespmem:s3], [sflag:$0x1] =	stream.linear.gather [hbm4b:s10+s3], $0xC800, $0x38;
	[tilespmem:$0x1B800] =	vst v63  }
0x26: {  	s11 =	rddreg [dreg:$0xa]  }
0x27: {  	[tilespmem:s14], [sflag:$0x1] =	stream.linear.gather [hbm4b:s11+s3], $0x280, $0x38;
	[tilespmem:$0x1B800] =	vst v63  }
0x28: {  	_ =	swait.ge [sflag:s15], $0xC800  }
0x29: {  	[sflag:s15] =	ssyncset.done $0x0  }
0x2a: {  	[sflag:s15] =	ssyncadd.s32 $0xFFFF3800  }
0x2b: {  	_ =	swait.ge [sflag:s15], $0x280  }
0x2c: {  	s12 =	rddreg [dreg:$0x5]  }
0x2d: {  	[sflag:s15] =	ssyncset.done $0x0;
	s8 =	sadd.s32 $0x0, s12  }
0x2e: {  	s5 =	smov.u32 s9;
	[sflag:s15] =	ssyncadd.s32 $0xFFFFFD80;
	s9 =	sadd.s32 $0x1900, s8  }
0x2f: {  	[tilespmem:s16], [sflag:$0x2] =	stream.linear.gather [hbm4b:s9+s3], $0xC800, $0x38;
	[tilespmem:$0x1B800] =	vst v63  }
0x30: {  	s11 =	rddreg [dreg:$0xe]  }
0x31: {  	[tilespmem:s17], [sflag:$0x2] =	stream.linear.gather [hbm4b:s11+s3], $0x280, $0x38;
	[tilespmem:$0x1B800] =	vst v63  }
0x32: {  	_ = 	snop  }
0x33: {  	[spmem:s2] =	stream.indirect.scatter.add.f32 [tilespmem:s3], [sflag:$0x3], $0x80, s14, s18, $0xb8;
	[tilespmem:$0x1B800] =	vst v63  }
0x34: {  	_ = 	snop  }
0x35: {  	[spmem:s2] =	stream.indirect.scatter.add.f32 [tilespmem:s20], [sflag:$0x3], $0x80, s19, s18, $0xb8;
	[tilespmem:$0x1B800] =	vst v63  }
0x36: {  	_ = 	snop  }
0x37: {  	[spmem:s2] =	stream.indirect.scatter.add.f32 [tilespmem:s22], [sflag:$0x3], $0x80, s21, s18, $0xb8;
	[tilespmem:$0x1B800] =	vst v63  }
0x38: {  	_ = 	snop  }
0x39: {  	[spmem:s2] =	stream.indirect.scatter.add.f32 [tilespmem:s24], [sflag:$0x3], $0x80, s23, s18, $0xb8;
	[tilespmem:$0x1B800] =	vst v63  }
0x3a: {  	_ = 	snop  }
0x3b: {  	[spmem:s2] =	stream.indirect.scatter.add.f32 [tilespmem:s26], [sflag:$0x3], $0x80, s25, s18, $0xb8;
	[tilespmem:$0x1B800] =	vst v63  }
0x3c: {  	_ =	swait.ge [sflag:s28], $0x2800  }
0x3d: {  	[sflag:s28] =	ssyncset.done $0x0  }
0x3e: {  	[sflag:s28] =	ssyncadd.s32 $0xFFFFD800  }
0x3f: {  	_ =	swait.ge [sflag:s28], $0x2800  }
0x40: {  	[sflag:s28] =	ssyncset.done $0x0  }
0x41: {  	[sflag:s28] =	ssyncadd.s32 $0xFFFFD800  }
0x42: {  	_ =	swait.ge [sflag:s28], $0x2800  }
0x43: {  	[sflag:s28] =	ssyncset.done $0x0  }
0x44: {  	[sflag:s28] =	ssyncadd.s32 $0xFFFFD800  }
0x45: {  	_ =	swait.ge [sflag:s28], $0x2800  }
0x46: {  	[sflag:s28] =	ssyncset.done $0x0  }
0x47: {  	[sflag:s28] =	ssyncadd.s32 $0xFFFFD800  }
0x48: {  	_ =	swait.ge [sflag:s28], $0x2800  }
0x49: {  	[sflag:s28] =	ssyncset.done $0x0  }
0x4a: {  	[sflag:s28] =	ssyncadd.s32 $0xFFFFD800  }
0x4b: {  	_ =	swait.ge [sflag:s29], $0xC800  }
0x4c: {  	[sflag:s29] =	ssyncset.done $0x0  }
0x4d: {  	[sflag:s29] =	ssyncadd.s32 $0xFFFF3800  }
0x4e: {  	_ =	swait.ge [sflag:s29], $0x280  }
0x4f: {  	[sflag:s29] =	ssyncset.done $0x0  }
0x50: {  	s8 =	sadd.s32 $0x3200, s8;
	[sflag:s29] =	ssyncadd.s32 $0xFFFFFD80  }
0x51: {  	[tilespmem:s3], [sflag:$0x1] =	stream.linear.gather [hbm4b:s8+s3], $0xC800, $0x38;
	[tilespmem:$0x1B800] =	vst v63  }
0x52: {  	s9 =	rddreg [dreg:$0xd]  }
0x53: {  	[tilespmem:s14], [sflag:$0x1] =	stream.linear.gather [hbm4b:s9+s3], $0x280, $0x38;
	[tilespmem:$0x1B800] =	vst v63  }
0x54: {  	s10 =	rddreg [dreg:$0x7]  }
0x55: {  	[spmem:s2] =	stream.indirect.scatter.add.f32 [tilespmem:s16], [sflag:$0x3], $0x80, s17, s18, $0xb8;
	[tilespmem:$0x1B800] =	vst v63  }
0x56: {  	s12 =	rddreg [dreg:$0x6]  }
0x57: {  	[spmem:s2] =	stream.indirect.scatter.add.f32 [tilespmem:s10], [sflag:$0x3], $0x80, s12, s18, $0xb8;
	[tilespmem:$0x1B800] =	vst v63  }
0x58: {  	_ = 	snop  }
0x59: {  	[spmem:s2] =	stream.indirect.scatter.add.f32 [tilespmem:s31], [sflag:$0x3], $0x80, s30, s18, $0xb8;
	[tilespmem:$0x1B800] =	vst v63  }
0x5a: {  	_ = 	snop  }
0x5b: {  	[spmem:s2] =	stream.indirect.scatter.add.f32 [tilespmem:s1], [sflag:$0x3], $0x80, s0, s18, $0xb8;
	[tilespmem:$0x1B800] =	vst v63  }
0x5c: {  	_ = 	snop  }
0x5d: {  	[spmem:s2] =	stream.indirect.scatter.add.f32 [tilespmem:s6], [sflag:$0x3], $0x80, s4, s18, $0xb8;
	[tilespmem:$0x1B800] =	vst v63  }
0x5e: {  	_ =	swait.ge [sflag:s28], $0x2800  }
0x5f: {  	[sflag:s28] =	ssyncset.done $0x0  }
0x60: {  	[sflag:s28] =	ssyncadd.s32 $0xFFFFD800  }
0x61: {  	_ =	swait.ge [sflag:s28], $0x2800  }
0x62: {  	[sflag:s28] =	ssyncset.done $0x0  }
0x63: {  	[sflag:s28] =	ssyncadd.s32 $0xFFFFD800  }
0x64: {  	_ =	swait.ge [sflag:s28], $0x2800  }
0x65: {  	[sflag:s28] =	ssyncset.done $0x0  }
0x66: {  	[sflag:s28] =	ssyncadd.s32 $0xFFFFD800  }
0x67: {  	_ =	swait.ge [sflag:s28], $0x2800  }
0x68: {  	[sflag:s28] =	ssyncset.done $0x0  }
0x69: {  	[sflag:s28] =	ssyncadd.s32 $0xFFFFD800  }
0x6a: {  	_ =	swait.ge [sflag:s28], $0x2800  }
0x6b: {  	s8 =	simm.s32 $0x3200;
	s10 =	smov.u32 s9;
	[sflag:s28] =	ssyncset.done $0x0  }
.LBB2_2:
0x6c: {  	[sflag:s28] =	ssyncadd.s32 $0xFFFFD800  }
0x6d: {  	_ =	swait.ge [sflag:s15], $0xC800  }
0x6e: {  	[sflag:s15] =	ssyncset.done $0x0  }
0x6f: {  	[sflag:s15] =	ssyncadd.s32 $0xFFFF3800  }
0x70: {  	_ =	swait.ge [sflag:s15], $0x280  }
0x71: {  	s12 =	smov.u32 s8;
	s9 =	rddreg [dreg:$0x5]  }
0x72: {  	[sflag:s15] =	ssyncset.done $0x0;
	s12 =	sadd.s32 s12, s9  }
0x73: {  	[sflag:s15] =	ssyncadd.s32 $0xFFFFFD80;
	s9 =	sadd.s32 $0x1900, s12  }
0x74: {  	[tilespmem:s16], [sflag:$0x2] =	stream.linear.gather [hbm4b:s9+s3], $0xC800, $0x38;
	[tilespmem:$0x1B800] =	vst v63  }
0x75: {  	s11 =	sadd.s32 $0x100, s11  }
0x76: {  	[tilespmem:s17], [sflag:$0x2] =	stream.linear.gather [hbm4b:s11+s3], $0x280, $0x38;
	[tilespmem:$0x1B800] =	vst v63  }
0x77: {  	_ = 	snop  }
0x78: {  	[spmem:s2] =	stream.indirect.scatter.add.f32 [tilespmem:s3], [sflag:$0x3], $0x80, s14, s18, $0xb8;
	[tilespmem:$0x1B800] =	vst v63  }
0x79: {  	_ = 	snop  }
0x7a: {  	[spmem:s2] =	stream.indirect.scatter.add.f32 [tilespmem:s20], [sflag:$0x3], $0x80, s19, s18, $0xb8;
	[tilespmem:$0x1B800] =	vst v63  }
0x7b: {  	_ = 	snop  }
0x7c: {  	[spmem:s2] =	stream.indirect.scatter.add.f32 [tilespmem:s22], [sflag:$0x3], $0x80, s21, s18, $0xb8;
	[tilespmem:$0x1B800] =	vst v63  }
0x7d: {  	_ = 	snop  }
0x7e: {  	[spmem:s2] =	stream.indirect.scatter.add.f32 [tilespmem:s24], [sflag:$0x3], $0x80, s23, s18, $0xb8;
	[tilespmem:$0x1B800] =	vst v63  }
0x7f: {  	_ = 	snop  }
0x80: {  	[spmem:s2] =	stream.indirect.scatter.add.f32 [tilespmem:s26], [sflag:$0x3], $0x80, s25, s18, $0xb8;
	[tilespmem:$0x1B800] =	vst v63  }
0x81: {  	_ =	swait.ge [sflag:s28], $0x2800  }
0x82: {  	[sflag:s28] =	ssyncset.done $0x0  }
0x83: {  	[sflag:s28] =	ssyncadd.s32 $0xFFFFD800  }
0x84: {  	_ =	swait.ge [sflag:s28], $0x2800  }
0x85: {  	[sflag:s28] =	ssyncset.done $0x0  }
0x86: {  	[sflag:s28] =	ssyncadd.s32 $0xFFFFD800  }
0x87: {  	_ =	swait.ge [sflag:s28], $0x2800  }
0x88: {  	[sflag:s28] =	ssyncset.done $0x0  }
0x89: {  	[sflag:s28] =	ssyncadd.s32 $0xFFFFD800  }
0x8a: {  	_ =	swait.ge [sflag:s28], $0x2800  }
0x8b: {  	[sflag:s28] =	ssyncset.done $0x0  }
0x8c: {  	[sflag:s28] =	ssyncadd.s32 $0xFFFFD800  }
0x8d: {  	_ =	swait.ge [sflag:s28], $0x2800  }
0x8e: {  	[sflag:s28] =	ssyncset.done $0x0  }
0x8f: {  	[sflag:s28] =	ssyncadd.s32 $0xFFFFD800  }
0x90: {  	_ =	swait.ge [sflag:s29], $0xC800  }
0x91: {  	[sflag:s29] =	ssyncset.done $0x0  }
0x92: {  	[sflag:s29] =	ssyncadd.s32 $0xFFFF3800  }
0x93: {  	_ =	swait.ge [sflag:s29], $0x280  }
0x94: {  	[sflag:s29] =	ssyncset.done $0x0  }
0x95: {  	s12 =	sadd.s32 $0x3200, s12;
	[sflag:s29] =	ssyncadd.s32 $0xFFFFFD80  }
0x96: {  	[tilespmem:s3], [sflag:$0x1] =	stream.linear.gather [hbm4b:s12+s3], $0xC800, $0x38;
	[tilespmem:$0x1B800] =	vst v63  }
0x97: {  	s10 =	sadd.s32 $0x100, s10  }
0x98: {  	[tilespmem:s14], [sflag:$0x1] =	stream.linear.gather [hbm4b:s10+s3], $0x280, $0x38;
	[tilespmem:$0x1B800] =	vst v63  }
0x99: {  	s9 =	rddreg [dreg:$0x7]  }
0x9a: {  	[spmem:s2] =	stream.indirect.scatter.add.f32 [tilespmem:s16], [sflag:$0x3], $0x80, s17, s18, $0xb8;
	[tilespmem:$0x1B800] =	vst v63  }
0x9b: {  	s12 =	rddreg [dreg:$0x6]  }
0x9c: {  	[spmem:s2] =	stream.indirect.scatter.add.f32 [tilespmem:s9], [sflag:$0x3], $0x80, s12, s18, $0xb8;
	[tilespmem:$0x1B800] =	vst v63  }
0x9d: {  	_ = 	snop  }
0x9e: {  	[spmem:s2] =	stream.indirect.scatter.add.f32 [tilespmem:s31], [sflag:$0x3], $0x80, s30, s18, $0xb8;
	[tilespmem:$0x1B800] =	vst v63  }
0x9f: {  	_ = 	snop  }
0xa0: {  	[spmem:s2] =	stream.indirect.scatter.add.f32 [tilespmem:s1], [sflag:$0x3], $0x80, s0, s18, $0xb8;
	[tilespmem:$0x1B800] =	vst v63  }
0xa1: {  	_ = 	snop  }
0xa2: {  	[spmem:s2] =	stream.indirect.scatter.add.f32 [tilespmem:s6], [sflag:$0x3], $0x80, s4, s18, $0xb8;
	[tilespmem:$0x1B800] =	vst v63  }
0xa3: {  	_ =	swait.ge [sflag:s28], $0x2800  }
0xa4: {  	[sflag:s28] =	ssyncset.done $0x0  }
0xa5: {  	[sflag:s28] =	ssyncadd.s32 $0xFFFFD800  }
0xa6: {  	_ =	swait.ge [sflag:s28], $0x2800  }
0xa7: {  	[sflag:s28] =	ssyncset.done $0x0  }
0xa8: {  	[sflag:s28] =	ssyncadd.s32 $0xFFFFD800  }
0xa9: {  	_ =	swait.ge [sflag:s28], $0x2800  }
0xaa: {  	[sflag:s28] =	ssyncset.done $0x0  }
0xab: {  	p0 =	sne.s32 s8, $0x22600;
	[sflag:s28] =	ssyncadd.s32 $0xFFFFD800  }
.Ltmp0:
0xac: {  	_ =	swait.ge [sflag:s28], $0x2800;
	(pc) =	sbr.rel @p0 .LBB2_2-.Ltmp0, $4  }
0xad: {  	[sflag:s28] =	ssyncset.done $0x0  }
0xae: {  	[sflag:s28] =	ssyncadd.s32 $0xFFFFD800  }
0xaf: {  	_ =	swait.ge [sflag:s28], $0x2800  }
0xb0: {  	s8 =	sadd.s32 $0x3200, s8;
	[sflag:s28] =	ssyncset.done $0x0  }
0xb1: {  	[sflag:s28] =	ssyncadd.s32 $0xFFFFD800  }
0xb2: {  	_ =	swait.ge [sflag:s15], $0xC800  }
0xb3: {  	[sflag:s15] =	ssyncset.done $0x0  }
0xb4: {  	[sflag:s15] =	ssyncadd.s32 $0xFFFF3800  }
0xb5: {  	_ =	swait.ge [sflag:s15], $0x280  }
0xb6: {  	[sflag:s15] =	ssyncset.done $0x0  }
0xb7: {  	[sflag:s15] =	ssyncadd.s32 $0xFFFFFD80  }
0xb8: {  	[spmem:s2] =	stream.indirect.scatter.add.f32 [tilespmem:s3], [sflag:$0x3], $0x80, s14, s18, $0xb8;
	[tilespmem:$0x1B800] =	vst v63  }
0xb9: {  	_ = 	snop  }
0xba: {  	[spmem:s2] =	stream.indirect.scatter.add.f32 [tilespmem:s20], [sflag:$0x3], $0x80, s19, s18, $0xb8;
	[tilespmem:$0x1B800] =	vst v63  }
0xbb: {  	_ = 	snop  }
0xbc: {  	[spmem:s2] =	stream.indirect.scatter.add.f32 [tilespmem:s22], [sflag:$0x3], $0x80, s21, s18, $0xb8;
	[tilespmem:$0x1B800] =	vst v63  }
0xbd: {  	_ = 	snop  }
0xbe: {  	[spmem:s2] =	stream.indirect.scatter.add.f32 [tilespmem:s24], [sflag:$0x3], $0x80, s23, s18, $0xb8;
	[tilespmem:$0x1B800] =	vst v63  }
0xbf: {  	_ = 	snop  }
0xc0: {  	[spmem:s2] =	stream.indirect.scatter.add.f32 [tilespmem:s26], [sflag:$0x3], $0x80, s25, s18, $0xb8;
	[tilespmem:$0x1B800] =	vst v63  }
0xc1: {  	_ =	swait.ge [sflag:s28], $0x2800  }
0xc2: {  	[sflag:s28] =	ssyncset.done $0x0  }
0xc3: {  	[sflag:s28] =	ssyncadd.s32 $0xFFFFD800  }
0xc4: {  	_ =	swait.ge [sflag:s28], $0x2800  }
0xc5: {  	[sflag:s28] =	ssyncset.done $0x0  }
0xc6: {  	[sflag:s28] =	ssyncadd.s32 $0xFFFFD800  }
0xc7: {  	_ =	swait.ge [sflag:s28], $0x2800  }
0xc8: {  	[sflag:s28] =	ssyncset.done $0x0  }
0xc9: {  	[sflag:s28] =	ssyncadd.s32 $0xFFFFD800  }
0xca: {  	_ =	swait.ge [sflag:s28], $0x2800  }
0xcb: {  	[sflag:s28] =	ssyncset.done $0x0  }
0xcc: {  	[sflag:s28] =	ssyncadd.s32 $0xFFFFD800  }
0xcd: {  	_ =	swait.ge [sflag:s28], $0x2800  }
0xce: {  	[sflag:s28] =	ssyncset.done $0x0  }
0xcf: {  	[sflag:s28] =	ssyncadd.s32 $0xFFFFD800  }
0xd0: {  	[bflag:$0x0] =	sbarrier.arrive $0xFFFF  }
0xd1: {  	s11 =	rddreg [dreg:$0xb]  }
0xd2: {  	s9 =	smov.u32 s5;
	s10 =	rddreg [dreg:$0xf]  }
0xd3: {  	[hbm:s11], [sflag:s9] =	dma.local [spmem:s10], $0x400  }
0xd4: {  	_ =	swait.ge [sflag:s13], $0x400  }
0xd5: {  	s7 =	sadd.s32 $0x1, s7;
	s12 =	rddreg [dreg:$0xc]  }
0xd6: {  	p0 =	sne.s32 s7, s12  }
.Ltmp1:
0xd7: {  	_ = 	snop;
	(pc) =	sbr.rel @p0 .LBB2_1-.Ltmp1, $3  }
0xd8: {  	_ =	sdelay $0x1  }
0xd9: {  	[sflag:s13] =	ssyncset.done $0x0  }
0xda: {  	[sflag:s13] =	ssyncadd.s32 $0xFFFFFC00  }
0xdb: {  	_ =	sfence.sel $0x180000  }
0xdc: {  	[bflag:$0x0] =	sbarrier.arrive $0xFFFF  }
0xdd: {  	_ =	strace $0x90000047  }
0xde: {  	s0 =	stileid.u32;
	[bflag:$0x2] =	sbarrier.arrive $0xFFFF  }
0xdf: {  	p0 =	sne.s32 s0, $0x0;
	s0 =	rddreg [dreg:$0x4]  }
0xe0: {  	s0 =	sadd.s32 @!p0 $0x100000, s0  }
0xe1: {  	[sflag:s0] =	ssyncadd.tile.s32 @!p0 $0x1;
	_ =	shalt  }
.Lfunc_end2:
_tile_overlayer_lowered:
.L_overlay_start_2:
0xe2: {  	(tag) =	ssettag $0x2  }
0xe3: {  	s0 =	rddreg [dreg:$0x0];
	s2 =	stileid.u32  }
0xe4: {  	s1 =	rddreg [dreg:$0x1];
	p0 =	sne.s32 s2, $0x0  }
0xe5: {  	s3 =	rddreg [dreg:$0x2];
	[bflag:$0x3] =	sbarrier.arrive $0xFFFF;
	s2 =	simm.s32 @!p0 $0x1C04  }
0xe6: {  	[timem:s3], [sflag:s2] =	dma.local @!p0 [hbm:s0], s1  }
0xe7: {  	s0 =	simm.s32 @!p0 $0x4  }
0xe8: {  	_ =	swait.ge @!p0 [sflag:s0], s1  }
0xe9: {  	s1 =	ssub.s32 @!p0 $0x0, s1;
	[sflag:s0] =	ssyncset.done @!p0 $0x0  }
0xea: {  	[sflag:s0] =	ssyncadd.s32 @!p0 s1  }
0xeb: {  	[bflag:$0x3] =	sbarrier.arrive $0xFFFF  }
0xec: {  	_ =	shalt  }

</sc_bundles>
